<compile_context>
chip_gen: v7x
topology: tpu7x:2x2x1
jax: 0.10.2.dev20260603
libtpu: 0.0.44.dev20260713+nightly
codegen_flags: <defaults>
</compile_context>

<pallas_src>
import functools

import jax
import jax.numpy as jnp
from jax import lax
from jax.experimental import pallas as pl
from jax.experimental.pallas import tpu as pltpu
from jax.experimental.pallas import tpu_sc as plsc

_INT_MAX = jnp.iinfo(jnp.int32).max
_INF = float('inf')
_TOPR = 4


def _insert(sd_ref, si_ref, c, ci):
    for j in range(_TOPR):
        sj = sd_ref[:, j:j + 1]
        ij = si_ref[:, j:j + 1]
        pred = c < sj
        sd_ref[:, j:j + 1] = jnp.where(pred, c, sj)
        si_ref[:, j:j + 1] = jnp.where(pred, ci, ij)
        c = jnp.where(pred, sj, c)
        ci = jnp.where(pred, ij, ci)


def _dist_body(qm2_ref, ones_ref, keys_ref, oc4_ref, sd_ref, si_ref, *, nb):
    b = pl.program_id(0)

    @pl.when(b == 0)
    def _():
        sd_ref[...] = jnp.full(sd_ref.shape, _INF, jnp.float32)
        si_ref[...] = jnp.full(si_ref.shape, _INT_MAX, jnp.int32)

    kblk = keys_ref[...]
    dn = (((1,), (1,)), ((), ()))
    s = lax.dot_general(qm2_ref[...], kblk, dn,
                        preferred_element_type=jnp.float32)
    k2 = lax.dot_general(ones_ref[...], kblk * kblk, dn,
                         preferred_element_type=jnp.float32)
    dist = s + k2
    ids = lax.broadcasted_iota(jnp.int32, dist.shape, 1) + b * nb
    m1 = jnp.min(dist, axis=1, keepdims=True)
    i1 = jnp.min(jnp.where(dist == m1, ids, _INT_MAX), axis=1,
                 keepdims=True)
    dist2 = jnp.where(ids == i1, _INF, dist)
    m2 = jnp.min(dist2, axis=1, keepdims=True)
    i2 = jnp.min(jnp.where(dist2 == m2, ids, _INT_MAX), axis=1,
                 keepdims=True)
    _insert(sd_ref, si_ref, m1, i1)
    _insert(sd_ref, si_ref, m2, i2)
    oc4_ref[...] = si_ref[...]


def _nn_top4(queries, keys, nb, interpret=False):
    q, d = queries.shape
    k = keys.shape[0]
    assert k % nb == 0
    nblk = k // nb
    qm2 = -2.0 * queries
    ones = jnp.ones_like(queries)
    full = pl.BlockSpec((q, d), lambda b: (0, 0))
    cand = pl.pallas_call(
        functools.partial(_dist_body, nb=nb),
        grid=(nblk,),
        in_specs=[full, full, pl.BlockSpec((nb, d), lambda b: (b, 0))],
        out_specs=pl.BlockSpec((q, _TOPR), lambda b: (0, 0)),
        out_shape=jax.ShapeDtypeStruct((q, _TOPR), jnp.int32),
        scratch_shapes=[pltpu.VMEM((q, _TOPR), jnp.float32),
                        pltpu.VMEM((q, _TOPR), jnp.int32)],
        interpret=interpret,
    )(qm2, ones, keys)
    return cand


def _rescore_body(cidx_ref, qexp_ref, keys_ref, dist_ref, krows, sem):
    q, r = cidx_ref.shape
    n = q * r
    for i in range(n):
        idx = cidx_ref[i // r, i % r]
        pltpu.make_async_copy(keys_ref.at[pl.ds(idx, 1), :],
                              krows.at[pl.ds(i, 1), :], sem).start()
    for i in range(n):
        pltpu.make_async_copy(keys_ref.at[pl.ds(0, 1), :],
                              krows.at[pl.ds(i, 1), :], sem).wait()
    diff = krows[...] - qexp_ref[...]
    dist_ref[...] = jnp.sum(diff * diff, axis=1, keepdims=True)


def _rescore(cidx, queries, keys, interpret=False):
    q, d = queries.shape
    n = q * _TOPR
    qexp = jnp.repeat(queries, _TOPR, axis=0)
    dist = pl.pallas_call(
        _rescore_body,
        in_specs=[pl.BlockSpec(memory_space=pltpu.SMEM),
                  pl.BlockSpec((n, d), lambda: (0, 0)),
                  pl.BlockSpec(memory_space=pl.ANY)],
        out_specs=pl.BlockSpec((n, 1), lambda: (0, 0)),
        out_shape=jax.ShapeDtypeStruct((n, 1), jnp.float32),
        scratch_shapes=[pltpu.VMEM((n, d), jnp.float32),
                        pltpu.SemaphoreType.DMA],
        interpret=interpret,
    )(cidx, qexp, keys)
    return dist


def _sc_pick(dist64, cidx_t):
    nr, q = cidx_t.shape
    mesh = plsc.VectorSubcoreMesh(core_axis_name="c", subcore_axis_name="s")

    def body(dist_hbm, cidx_hbm, out_hbm, dv, civ, idxv):
        cid = lax.axis_index("c")
        sid = lax.axis_index("s")

        @pl.when(jnp.logical_and(cid == 0, sid == 0))
        def _():
            pltpu.sync_copy(dist_hbm, dv)
            pltpu.sync_copy(cidx_hbm, civ)
            ebest = jnp.full((q,), _INF, jnp.float32)
            ebidx = jnp.full((q,), _INT_MAX, jnp.int32)
            for r in range(nr):
                dr = dv[pl.ds(r * q, q)]
                ir = civ[r, :]
                better = jnp.logical_or(
                    dr < ebest,
                    jnp.logical_and(dr == ebest, ir < ebidx))
                ebest = jnp.where(better, dr, ebest)
                ebidx = jnp.where(better, ir, ebidx)
            idxv[...] = ebidx
            pltpu.sync_copy(idxv, out_hbm)

    call = pl.kernel(
        body, mesh=mesh,
        out_type=jax.ShapeDtypeStruct((q,), jnp.int32),
        scratch_types=[
            pltpu.VMEM((nr * q,), jnp.float32),
            pltpu.VMEM((nr, q), jnp.int32),
            pltpu.VMEM((q,), jnp.int32),
        ],
    )
    return call(dist64, cidx_t)


def _gather_body(widx_ref, values_ref, out_ref, sem):
    q = out_ref.shape[0]
    for i in range(q):
        idx = widx_ref[i]
        pltpu.make_async_copy(values_ref.at[pl.ds(idx, 1), :],
                              out_ref.at[pl.ds(i, 1), :], sem).start()
    for i in range(q):
        pltpu.make_async_copy(values_ref.at[pl.ds(0, 1), :],
                              out_ref.at[pl.ds(i, 1), :], sem).wait()


def _gather_rows(widx, values):
    q = widx.shape[0]
    d = values.shape[1]
    return pl.pallas_call(
        _gather_body,
        in_specs=[pl.BlockSpec(memory_space=pltpu.SMEM),
                  pl.BlockSpec(memory_space=pl.ANY)],
        out_specs=pl.BlockSpec((q, d), lambda: (0, 0)),
        out_shape=jax.ShapeDtypeStruct((q, d), jnp.float32),
        scratch_shapes=[pltpu.SemaphoreType.DMA],
    )(widx, values)


def kernel(queries, keys, values):
    q = queries.shape[0]
    nb = 25000 if keys.shape[0] % 25000 == 0 else keys.shape[0]
    cidx = _nn_top4(queries, keys, nb)
    dist = _rescore(cidx, queries, keys)
    dist_r = dist.reshape(q, _TOPR).T.reshape(-1)
    cidx_t = cidx.T
    widx = _sc_pick(dist_r, cidx_t)
    return _gather_rows(widx, values)

# --- scband reference (transcript-rebuilt; emitter-appended) ---
"""Pipeline reference for scband-nearest-neighbor-3779571221027 (READ-ONLY COPY).

The authoritative reference and input builder live on the scoring server;
editing this copy changes nothing except your own understanding.
"""

import jax, jax.numpy as jnp
import numpy as np


def setup_inputs(seed: int = 0) -> dict:
    key = jax.random.key(seed)
    kq, kk, kv = jax.random.split(key, 3)
    queries = jax.random.normal(kq, (16, 34), dtype=jnp.float32)
    keys = jax.random.normal(kk, (1000000, 34), dtype=jnp.float32)
    values = jax.random.normal(kv, (1000000, 34), dtype=jnp.float32)
    return {"queries": queries, "keys": keys, "values": values}


def reference(queries, keys, values):
    # Nearest-neighbor retrieval: MSE distance between each query pose and every
    # database pose (the torch module loops over the train dataloader computing
    # MSE and tracking the argmin; here the database is materialized as `keys`).
    d = queries.shape[1]
    q2 = jnp.sum(queries * queries, axis=1, keepdims=True)          # [Q, 1]
    k2 = jnp.sum(keys * keys, axis=1)                                # [K]
    # squared L2 distance via expansion; divide by d -> MSE (same argmin)
    dist = (q2 + k2[None, :] - 2.0 * (queries @ keys.T)) / d         # [Q, K]
    best_index = jnp.argmin(dist, axis=1)                            # [Q]
    # return the stored target velocity of the best-matching train sample
    outputs = jnp.take(values, best_index, axis=0)                   # [Q, d]
    return outputs

if __name__ == "__main__":
    import jax
    _d = setup_inputs()
    print(jax.jit(kernel)(*tuple(_d.values())))

</pallas_src>

<mosaic_0001>
#map = affine_map<(d0, d1) -> (0)>
#map1 = affine_map<(d0, d1) -> (0, 0)>
module attributes {stable_mosaic.version = 14 : i64} {
  func.func @body(%arg0: i32, %arg1: i32, %arg2: memref<64xf32, #tpu.memory_space<hbm>>, %arg3: memref<4x16xi32, #tpu.memory_space<hbm>>, %arg4: memref<16xi32, #tpu.memory_space<hbm>>, %arg5: memref<64xf32, #tpu.memory_space<vmem>>, %arg6: memref<4x16xi32, #tpu.memory_space<vmem>>, %arg7: memref<16xi32, #tpu.memory_space<vmem>>) attributes {dimension_semantics = [#tpu.dimension_semantics<core_parallel>, #tpu.dimension_semantics<subcore_parallel>], iteration_bounds = array<i64: 2, 16>, scalar_prefetch = 0 : i64, scratch_operands = 3 : i64, tpu.core_type = #tpu.core_type<sc_vector_subcore>, window_params = [{transform_indices = #map}, {transform_indices = #map1}, {transform_indices = #map}]} {
    %eq3A = arith.constant 0 : i32
    %eq3A_0 = arith.cmpi eq, %arg0, %eq3A : i32
    %eq3A_1 = arith.constant 0 : i32
    %eq3A_2 = arith.cmpi eq, %arg1, %eq3A_1 : i32
    %and3A = arith.andi %eq3A_0, %eq3A_2 : i1
    %convert_element_type3A = arith.extui %and3A : i1 to i32
    %cond3A = arith.constant 0 : i32
    %cond3A_3 = arith.cmpi ne, %convert_element_type3A, %cond3A : i32
    scf.if %cond3A_3 {
      "tpu.region"() ({
        %run_scoped3A = tpu.sem_alloc : memref<!tpu.dma_semaphore, #tpu.memory_space<semaphore_mem>>
        tpu.enqueue_dma source(%arg2 : memref<64xf32, #tpu.memory_space<hbm>>) target(%arg5 : memref<64xf32, #tpu.memory_space<vmem>>) target_semaphore(%run_scoped3A : memref<!tpu.dma_semaphore, #tpu.memory_space<semaphore_mem>>)
        tpu.wait_dma2 semaphore(%run_scoped3A : memref<!tpu.dma_semaphore, #tpu.memory_space<semaphore_mem>>) src(%arg2 : memref<64xf32, #tpu.memory_space<hbm>>) dst(%arg5 : memref<64xf32, #tpu.memory_space<vmem>>)
        tpu.yield
      }) : () -> ()
      "tpu.region"() ({
        %run_scoped3A = tpu.sem_alloc : memref<!tpu.dma_semaphore, #tpu.memory_space<semaphore_mem>>
        tpu.enqueue_dma source(%arg3 : memref<4x16xi32, #tpu.memory_space<hbm>>) target(%arg6 : memref<4x16xi32, #tpu.memory_space<vmem>>) target_semaphore(%run_scoped3A : memref<!tpu.dma_semaphore, #tpu.memory_space<semaphore_mem>>)
        tpu.wait_dma2 semaphore(%run_scoped3A : memref<!tpu.dma_semaphore, #tpu.memory_space<semaphore_mem>>) src(%arg3 : memref<4x16xi32, #tpu.memory_space<hbm>>) dst(%arg6 : memref<4x16xi32, #tpu.memory_space<vmem>>)
        tpu.yield
      }) : () -> ()
      %broadcast_in_dim3A = arith.constant 0x7F800000 : f32
      %broadcast_in_dim3A_4 = vector.broadcast %broadcast_in_dim3A : f32 to vector<16xf32>
      %broadcast_in_dim3A_5 = arith.constant 2147483647 : i32
      %broadcast_in_dim3A_6 = vector.broadcast %broadcast_in_dim3A_5 : i32 to vector<16xi32>
      %get3A = arith.constant 0 : index
      %get3A_7 = tpu.vector_load %arg5[%get3A] {strides = array<i32>} : memref<64xf32, #tpu.memory_space<vmem>>, vector<16xf32>,
      %get3A_8 = vector.shape_cast %get3A_7 : vector<16xf32> to vector<16xf32>
      %get3A_9 = arith.constant 0 : i32
      %get3A_10 = arith.index_cast %get3A_9 : i32 to index
      %get3A_11 = arith.constant 0 : index
      %get3A_12 = tpu.vector_load %arg6[%get3A_10, %get3A_11] {strides = array<i32>} : memref<4x16xi32, #tpu.memory_space<vmem>>, vector<1x16xi32>,
      %get3A_13 = vector.shape_cast %get3A_12 : vector<1x16xi32> to vector<16xi32>
      %lt3A = arith.cmpf olt, %get3A_8, %broadcast_in_dim3A_4 : vector<16xf32>
      %eq3A_14 = arith.cmpf oeq, %get3A_8, %broadcast_in_dim3A_4 : vector<16xf32>
      %lt3A_15 = arith.cmpi slt, %get3A_13, %broadcast_in_dim3A_6 : vector<16xi32>
      %and3A_16 = arith.andi %eq3A_14, %lt3A_15 : vector<16xi1>
      %or3A = arith.ori %lt3A, %and3A_16 : vector<16xi1>
      %select_n3A = arith.select %or3A, %get3A_8, %broadcast_in_dim3A_4 : vector<16xi1>, vector<16xf32>
      %select_n3A_17 = arith.select %or3A, %get3A_13, %broadcast_in_dim3A_6 : vector<16xi1>, vector<16xi32>
      %get3A_18 = arith.constant 16 : index
      %get3A_19 = tpu.vector_load %arg5[%get3A_18] {strides = array<i32>} : memref<64xf32, #tpu.memory_space<vmem>>, vector<16xf32>,
      %get3A_20 = vector.shape_cast %get3A_19 : vector<16xf32> to vector<16xf32>
      %get3A_21 = arith.constant 1 : i32
      %get3A_22 = arith.index_cast %get3A_21 : i32 to index
      %get3A_23 = arith.constant 0 : index
      %get3A_24 = tpu.vector_load %arg6[%get3A_22, %get3A_23] {strides = array<i32>} : memref<4x16xi32, #tpu.memory_space<vmem>>, vector<1x16xi32>,
      %get3A_25 = vector.shape_cast %get3A_24 : vector<1x16xi32> to vector<16xi32>
      %lt3A_26 = arith.cmpf olt, %get3A_20, %select_n3A : vector<16xf32>
      %eq3A_27 = arith.cmpf oeq, %get3A_20, %select_n3A : vector<16xf32>
      %lt3A_28 = arith.cmpi slt, %get3A_25, %select_n3A_17 : vector<16xi32>
      %and3A_29 = arith.andi %eq3A_27, %lt3A_28 : vector<16xi1>
      %or3A_30 = arith.ori %lt3A_26, %and3A_29 : vector<16xi1>
      %select_n3A_31 = arith.select %or3A_30, %get3A_20, %select_n3A : vector<16xi1>, vector<16xf32>
      %select_n3A_32 = arith.select %or3A_30, %get3A_25, %select_n3A_17 : vector<16xi1>, vector<16xi32>
      %get3A_33 = arith.constant 32 : index
      %get3A_34 = tpu.vector_load %arg5[%get3A_33] {strides = array<i32>} : memref<64xf32, #tpu.memory_space<vmem>>, vector<16xf32>,
      %get3A_35 = vector.shape_cast %get3A_34 : vector<16xf32> to vector<16xf32>
      %get3A_36 = arith.constant 2 : i32
      %get3A_37 = arith.index_cast %get3A_36 : i32 to index
      %get3A_38 = arith.constant 0 : index
      %get3A_39 = tpu.vector_load %arg6[%get3A_37, %get3A_38] {strides = array<i32>} : memref<4x16xi32, #tpu.memory_space<vmem>>, vector<1x16xi32>,
      %get3A_40 = vector.shape_cast %get3A_39 : vector<1x16xi32> to vector<16xi32>
      %lt3A_41 = arith.cmpf olt, %get3A_35, %select_n3A_31 : vector<16xf32>
      %eq3A_42 = arith.cmpf oeq, %get3A_35, %select_n3A_31 : vector<16xf32>
      %lt3A_43 = arith.cmpi slt, %get3A_40, %select_n3A_32 : vector<16xi32>
      %and3A_44 = arith.andi %eq3A_42, %lt3A_43 : vector<16xi1>
      %or3A_45 = arith.ori %lt3A_41, %and3A_44 : vector<16xi1>
      %select_n3A_46 = arith.select %or3A_45, %get3A_35, %select_n3A_31 : vector<16xi1>, vector<16xf32>
      %select_n3A_47 = arith.select %or3A_45, %get3A_40, %select_n3A_32 : vector<16xi1>, vector<16xi32>
      %get3A_48 = arith.constant 48 : index
      %get3A_49 = tpu.vector_load %arg5[%get3A_48] {strides = array<i32>} : memref<64xf32, #tpu.memory_space<vmem>>, vector<16xf32>,
      %get3A_50 = vector.shape_cast %get3A_49 : vector<16xf32> to vector<16xf32>
      %get3A_51 = arith.constant 3 : i32
      %get3A_52 = arith.index_cast %get3A_51 : i32 to index
      %get3A_53 = arith.constant 0 : index
      %get3A_54 = tpu.vector_load %arg6[%get3A_52, %get3A_53] {strides = array<i32>} : memref<4x16xi32, #tpu.memory_space<vmem>>, vector<1x16xi32>,
      %get3A_55 = vector.shape_cast %get3A_54 : vector<1x16xi32> to vector<16xi32>
      %lt3A_56 = arith.cmpf olt, %get3A_50, %select_n3A_46 : vector<16xf32>
      %eq3A_57 = arith.cmpf oeq, %get3A_50, %select_n3A_46 : vector<16xf32>
      %lt3A_58 = arith.cmpi slt, %get3A_55, %select_n3A_47 : vector<16xi32>
      %and3A_59 = arith.andi %eq3A_57, %lt3A_58 : vector<16xi1>
      %or3A_60 = arith.ori %lt3A_56, %and3A_59 : vector<16xi1>
      %select_n3A_61 = arith.select %or3A_60, %get3A_50, %select_n3A_46 : vector<16xi1>, vector<16xf32>
      %select_n3A_62 = arith.select %or3A_60, %get3A_55, %select_n3A_47 : vector<16xi1>, vector<16xi32>
      %swap3A = arith.constant 0 : index
      %swap3A_63 = tpu.vector_load %arg7[%swap3A] {strides = array<i32>} : memref<16xi32, #tpu.memory_space<vmem>>, vector<16xi32>,
      %swap3A_64 = vector.shape_cast %swap3A_63 : vector<16xi32> to vector<16xi32>
      %swap3A_65 = vector.shape_cast %select_n3A_62 : vector<16xi32> to vector<16xi32>
      tpu.vector_store %arg7[%swap3A], %swap3A_65 {strides = array<i32>} : memref<16xi32, #tpu.memory_space<vmem>>, vector<16xi32>,
      "tpu.region"() ({
        %run_scoped3A = tpu.sem_alloc : memref<!tpu.dma_semaphore, #tpu.memory_space<semaphore_mem>>
        tpu.enqueue_dma source(%arg7 : memref<16xi32, #tpu.memory_space<vmem>>) target(%arg4 : memref<16xi32, #tpu.memory_space<hbm>>) target_semaphore(%run_scoped3A : memref<!tpu.dma_semaphore, #tpu.memory_space<semaphore_mem>>)
        tpu.wait_dma2 semaphore(%run_scoped3A : memref<!tpu.dma_semaphore, #tpu.memory_space<semaphore_mem>>) src(%arg7 : memref<16xi32, #tpu.memory_space<vmem>>) dst(%arg4 : memref<16xi32, #tpu.memory_space<hbm>>)
        tpu.yield
      }) : () -> ()
    } else {
    }
    return
  }
}

module attributes {stable_mosaic.version = 14 : i64} {
  func.func @_dist_body(%arg0: i32, %arg1: memref<16x34xf32, #tpu.memory_space<vmem>>, %arg2: memref<16x34xf32, #tpu.memory_space<vmem>>, %arg3: memref<25000x34xf32, #tpu.memory_space<vmem>>, %arg4: memref<16x4xi32, #tpu.memory_space<vmem>>, %arg5: memref<16x4xf32, #tpu.memory_space<vmem>>, %arg6: memref<16x4xi32, #tpu.memory_space<vmem>>) attributes {dimension_semantics = [#tpu.dimension_semantics<arbitrary>], iteration_bounds = array<i64: 40>, scalar_prefetch = 0 : i64, scratch_operands = 2 : i64, tpu.core_type = #tpu.core_type<tc>, window_params = [{pipeline_mode = #tpu.pipeline_mode<synchronous>, transform_indices = @transform_0, window_bounds = array<i64: 16, 34>}, {pipeline_mode = #tpu.pipeline_mode<synchronous>, transform_indices = @transform_1, window_bounds = array<i64: 16, 34>}, {transform_indices = @transform_2, window_bounds = array<i64: 25000, 34>}, {pipeline_mode = #tpu.pipeline_mode<synchronous>, transform_indices = @transform_3, window_bounds = array<i64: 16, 4>}]} {
    %eq3A = arith.constant 0 : i32
    %eq3A_0 = arith.cmpi eq, %arg0, %eq3A : i32
    %convert_element_type3A = arith.extui %eq3A_0 : i1 to i32
    %cond3A = arith.constant 0 : i32
    %cond3A_1 = arith.cmpi ne, %convert_element_type3A, %cond3A : i32
    scf.if %cond3A_1 {
      %broadcast_in_dim3A_176 = arith.constant 0x7F800000 : f32
      %broadcast_in_dim3A_177 = vector.broadcast %broadcast_in_dim3A_176 : f32 to vector<16x4xf32>
      %swap3A_178 = arith.constant 0 : index
      %swap3A_179 = arith.constant 0 : index
      %swap3A_180 = vector.load %arg5[%swap3A_178, %swap3A_179] : memref<16x4xf32, #tpu.memory_space<vmem>>, vector<16x4xf32>
      tpu.vector_store %arg5[%swap3A_178, %swap3A_179], %broadcast_in_dim3A_177 {strides = array<i32>} : memref<16x4xf32, #tpu.memory_space<vmem>>, vector<16x4xf32>,
      %broadcast_in_dim3A_181 = arith.constant 2147483647 : i32
      %broadcast_in_dim3A_182 = vector.broadcast %broadcast_in_dim3A_181 : i32 to vector<16x4xi32>
      %swap3A_183 = arith.constant 0 : index
      %swap3A_184 = arith.constant 0 : index
      %swap3A_185 = vector.load %arg6[%swap3A_183, %swap3A_184] : memref<16x4xi32, #tpu.memory_space<vmem>>, vector<16x4xi32>
      tpu.vector_store %arg6[%swap3A_183, %swap3A_184], %broadcast_in_dim3A_182 {strides = array<i32>} : memref<16x4xi32, #tpu.memory_space<vmem>>, vector<16x4xi32>,
    } else {
    }
    %get3A = arith.constant 0 : index
    %get3A_2 = arith.constant 0 : index
    %get3A_3 = vector.load %arg3[%get3A, %get3A_2] : memref<25000x34xf32, #tpu.memory_space<vmem>>, vector<25000x34xf32>
    %get3A_4 = arith.constant 0 : index
    %get3A_5 = arith.constant 0 : index
    %get3A_6 = vector.load %arg1[%get3A_4, %get3A_5] : memref<16x34xf32, #tpu.memory_space<vmem>>, vector<16x34xf32>
    %dot_general3A = arith.constant dense<0.000000e+00> : vector<16x25000xf32>
    %dot_general3A_7 = tpu.matmul %get3A_6, %get3A_3, %dot_general3A {dimension_numbers = #tpu.dot_dimension_numbers<[1], [1], [0], [0], [0, 0, 1, 0], [], []>, transpose_lhs_hint = false} : vector<16x34xf32>, vector<25000x34xf32>, vector<16x25000xf32> -> vector<16x25000xf32>
    %get3A_8 = arith.constant 0 : index
    %get3A_9 = arith.constant 0 : index
    %get3A_10 = vector.load %arg2[%get3A_8, %get3A_9] : memref<16x34xf32, #tpu.memory_space<vmem>>, vector<16x34xf32>
    %mul3A = arith.mulf %get3A_3, %get3A_3 : vector<25000x34xf32>
    %dot_general3A_11 = arith.constant dense<0.000000e+00> : vector<16x25000xf32>
    %dot_general3A_12 = tpu.matmul %get3A_10, %mul3A, %dot_general3A_11 {dimension_numbers = #tpu.dot_dimension_numbers<[1], [1], [0], [0], [0, 0, 1, 0], [], []>, transpose_lhs_hint = false} : vector<16x34xf32>, vector<25000x34xf32>, vector<16x25000xf32> -> vector<16x25000xf32>
    %add3A = arith.addf %dot_general3A_7, %dot_general3A_12 : vector<16x25000xf32>
    %iota3A = tpu.iota {dimensions = array<i32: 1>} : vector<16x25000xi32>
    %mul3A_13 = arith.constant 25000 : i32
    %mul3A_14 = arith.muli %arg0, %mul3A_13 : i32
    %add3A_15 = vector.broadcast %mul3A_14 : i32 to vector<16x25000xi32>
    %add3A_16 = arith.addi %iota3A, %add3A_15 : vector<16x25000xi32>
    %reduce_min3A = arith.constant dense<0x7F800000> : vector<16xf32>
    %reduce_min3A_17 = vector.multi_reduction <minimumf>, %add3A, %reduce_min3A [1] : vector<16x25000xf32> to vector<16xf32>
    %broadcast_in_dim3A = vector.shape_cast %reduce_min3A_17 : vector<16xf32> to vector<16x1xf32>
    %eq3A_18 = vector.broadcast %broadcast_in_dim3A : vector<16x1xf32> to vector<16x25000xf32>
    %eq3A_19 = arith.cmpf oeq, %add3A, %eq3A_18 : vector<16x25000xf32>
    %jit3A = arith.constant 2147483647 : i32
    %broadcast_in_dim3A_20 = vector.broadcast %jit3A : i32 to vector<16x25000xi32>
    %select_n3A = arith.select %eq3A_19, %add3A_16, %broadcast_in_dim3A_20 : vector<16x25000xi1>, vector<16x25000xi32>
    %reduce_min3A_21 = arith.constant dense<2147483647> : vector<16xi32>
    %reduce_min3A_22 = vector.multi_reduction <minsi>, %select_n3A, %reduce_min3A_21 [1] : vector<16x25000xi32> to vector<16xi32>
    %broadcast_in_dim3A_23 = vector.shape_cast %reduce_min3A_22 : vector<16xi32> to vector<16x1xi32>
    %eq3A_24 = vector.broadcast %broadcast_in_dim3A_23 : vector<16x1xi32> to vector<16x25000xi32>
    %eq3A_25 = arith.cmpi eq, %add3A_16, %eq3A_24 : vector<16x25000xi32>
    %jit3A_26 = arith.constant 0x7F800000 : f32
    %broadcast_in_dim3A_27 = vector.broadcast %jit3A_26 : f32 to vector<16x25000xf32>
    %select_n3A_28 = arith.select %eq3A_25, %broadcast_in_dim3A_27, %add3A : vector<16x25000xi1>, vector<16x25000xf32>
    %reduce_min3A_29 = arith.constant dense<0x7F800000> : vector<16xf32>
    %reduce_min3A_30 = vector.multi_reduction <minimumf>, %select_n3A_28, %reduce_min3A_29 [1] : vector<16x25000xf32> to vector<16xf32>
    %broadcast_in_dim3A_31 = vector.shape_cast %reduce_min3A_30 : vector<16xf32> to vector<16x1xf32>
    %eq3A_32 = vector.broadcast %broadcast_in_dim3A_31 : vector<16x1xf32> to vector<16x25000xf32>
    %eq3A_33 = arith.cmpf oeq, %select_n3A_28, %eq3A_32 : vector<16x25000xf32>
    %jit3A_34 = arith.constant 2147483647 : i32
    %broadcast_in_dim3A_35 = vector.broadcast %jit3A_34 : i32 to vector<16x25000xi32>
    %select_n3A_36 = arith.select %eq3A_33, %add3A_16, %broadcast_in_dim3A_35 : vector<16x25000xi1>, vector<16x25000xi32>
    %reduce_min3A_37 = arith.constant dense<2147483647> : vector<16xi32>
    %reduce_min3A_38 = vector.multi_reduction <minsi>, %select_n3A_36, %reduce_min3A_37 [1] : vector<16x25000xi32> to vector<16xi32>
    %broadcast_in_dim3A_39 = vector.shape_cast %reduce_min3A_38 : vector<16xi32> to vector<16x1xi32>
    %get3A_40 = arith.constant 0 : index
    %get3A_41 = arith.constant 0 : index
    %get3A_42 = vector.load %arg5[%get3A_40, %get3A_41] : memref<16x4xf32, #tpu.memory_space<vmem>>, vector<16x1xf32>
    %get3A_43 = arith.constant 0 : index
    %get3A_44 = arith.constant 0 : index
    %get3A_45 = vector.load %arg6[%get3A_43, %get3A_44] : memref<16x4xi32, #tpu.memory_space<vmem>>, vector<16x1xi32>
    %lt3A = arith.cmpf olt, %broadcast_in_dim3A, %get3A_42 : vector<16x1xf32>
    %select_n3A_46 = arith.select %lt3A, %broadcast_in_dim3A, %get3A_42 : vector<16x1xi1>, vector<16x1xf32>
    %swap3A = arith.constant 0 : index
    %swap3A_47 = arith.constant 0 : index
    %swap3A_48 = vector.load %arg5[%swap3A, %swap3A_47] : memref<16x4xf32, #tpu.memory_space<vmem>>, vector<16x1xf32>
    tpu.vector_store %arg5[%swap3A, %swap3A_47], %select_n3A_46 {strides = array<i32>} : memref<16x4xf32, #tpu.memory_space<vmem>>, vector<16x1xf32>,
    %select_n3A_49 = arith.select %lt3A, %broadcast_in_dim3A_23, %get3A_45 : vector<16x1xi1>, vector<16x1xi32>
    %swap3A_50 = arith.constant 0 : index
    %swap3A_51 = arith.constant 0 : index
    %swap3A_52 = vector.load %arg6[%swap3A_50, %swap3A_51] : memref<16x4xi32, #tpu.memory_space<vmem>>, vector<16x1xi32>
    tpu.vector_store %arg6[%swap3A_50, %swap3A_51], %select_n3A_49 {strides = array<i32>} : memref<16x4xi32, #tpu.memory_space<vmem>>, vector<16x1xi32>,
    %select_n3A_53 = arith.select %lt3A, %get3A_42, %broadcast_in_dim3A : vector<16x1xi1>, vector<16x1xf32>
    %select_n3A_54 = arith.select %lt3A, %get3A_45, %broadcast_in_dim3A_23 : vector<16x1xi1>, vector<16x1xi32>
    %get3A_55 = arith.constant 0 : index
    %get3A_56 = arith.constant 1 : index
    %get3A_57 = vector.load %arg5[%get3A_55, %get3A_56] : memref<16x4xf32, #tpu.memory_space<vmem>>, vector<16x1xf32>
    %get3A_58 = arith.constant 0 : index
    %get3A_59 = arith.constant 1 : index
    %get3A_60 = vector.load %arg6[%get3A_58, %get3A_59] : memref<16x4xi32, #tpu.memory_space<vmem>>, vector<16x1xi32>
    %lt3A_61 = arith.cmpf olt, %select_n3A_53, %get3A_57 : vector<16x1xf32>
    %select_n3A_62 = arith.select %lt3A_61, %select_n3A_53, %get3A_57 : vector<16x1xi1>, vector<16x1xf32>
    %swap3A_63 = arith.constant 0 : index
    %swap3A_64 = arith.constant 1 : index
    %swap3A_65 = vector.load %arg5[%swap3A_63, %swap3A_64] : memref<16x4xf32, #tpu.memory_space<vmem>>, vector<16x1xf32>
    tpu.vector_store %arg5[%swap3A_63, %swap3A_64], %select_n3A_62 {strides = array<i32>} : memref<16x4xf32, #tpu.memory_space<vmem>>, vector<16x1xf32>,
    %select_n3A_66 = arith.select %lt3A_61, %select_n3A_54, %get3A_60 : vector<16x1xi1>, vector<16x1xi32>
    %swap3A_67 = arith.constant 0 : index
    %swap3A_68 = arith.constant 1 : index
    %swap3A_69 = vector.load %arg6[%swap3A_67, %swap3A_68] : memref<16x4xi32, #tpu.memory_space<vmem>>, vector<16x1xi32>
    tpu.vector_store %arg6[%swap3A_67, %swap3A_68], %select_n3A_66 {strides = array<i32>} : memref<16x4xi32, #tpu.memory_space<vmem>>, vector<16x1xi32>,
    %select_n3A_70 = arith.select %lt3A_61, %get3A_57, %select_n3A_53 : vector<16x1xi1>, vector<16x1xf32>
    %select_n3A_71 = arith.select %lt3A_61, %get3A_60, %select_n3A_54 : vector<16x1xi1>, vector<16x1xi32>
    %get3A_72 = arith.constant 0 : index
    %get3A_73 = arith.constant 2 : index
    %get3A_74 = vector.load %arg5[%get3A_72, %get3A_73] : memref<16x4xf32, #tpu.memory_space<vmem>>, vector<16x1xf32>
    %get3A_75 = arith.constant 0 : index
    %get3A_76 = arith.constant 2 : index
    %get3A_77 = vector.load %arg6[%get3A_75, %get3A_76] : memref<16x4xi32, #tpu.memory_space<vmem>>, vector<16x1xi32>
    %lt3A_78 = arith.cmpf olt, %select_n3A_70, %get3A_74 : vector<16x1xf32>
    %select_n3A_79 = arith.select %lt3A_78, %select_n3A_70, %get3A_74 : vector<16x1xi1>, vector<16x1xf32>
    %swap3A_80 = arith.constant 0 : index
    %swap3A_81 = arith.constant 2 : index
    %swap3A_82 = vector.load %arg5[%swap3A_80, %swap3A_81] : memref<16x4xf32, #tpu.memory_space<vmem>>, vector<16x1xf32>
    tpu.vector_store %arg5[%swap3A_80, %swap3A_81], %select_n3A_79 {strides = array<i32>} : memref<16x4xf32, #tpu.memory_space<vmem>>, vector<16x1xf32>,
    %select_n3A_83 = arith.select %lt3A_78, %select_n3A_71, %get3A_77 : vector<16x1xi1>, vector<16x1xi32>
    %swap3A_84 = arith.constant 0 : index
    %swap3A_85 = arith.constant 2 : index
    %swap3A_86 = vector.load %arg6[%swap3A_84, %swap3A_85] : memref<16x4xi32, #tpu.memory_space<vmem>>, vector<16x1xi32>
    tpu.vector_store %arg6[%swap3A_84, %swap3A_85], %select_n3A_83 {strides = array<i32>} : memref<16x4xi32, #tpu.memory_space<vmem>>, vector<16x1xi32>,
    %select_n3A_87 = arith.select %lt3A_78, %get3A_74, %select_n3A_70 : vector<16x1xi1>, vector<16x1xf32>
    %select_n3A_88 = arith.select %lt3A_78, %get3A_77, %select_n3A_71 : vector<16x1xi1>, vector<16x1xi32>
    %get3A_89 = arith.constant 0 : index
    %get3A_90 = arith.constant 3 : index
    %get3A_91 = vector.load %arg5[%get3A_89, %get3A_90] : memref<16x4xf32, #tpu.memory_space<vmem>>, vector<16x1xf32>
    %get3A_92 = arith.constant 0 : index
    %get3A_93 = arith.constant 3 : index
    %get3A_94 = vector.load %arg6[%get3A_92, %get3A_93] : memref<16x4xi32, #tpu.memory_space<vmem>>, vector<16x1xi32>
    %lt3A_95 = arith.cmpf olt, %select_n3A_87, %get3A_91 : vector<16x1xf32>
    %select_n3A_96 = arith.select %lt3A_95, %select_n3A_87, %get3A_91 : vector<16x1xi1>, vector<16x1xf32>
    %swap3A_97 = arith.constant 0 : index
    %swap3A_98 = arith.constant 3 : index
    %swap3A_99 = vector.load %arg5[%swap3A_97, %swap3A_98] : memref<16x4xf32, #tpu.memory_space<vmem>>, vector<16x1xf32>
    tpu.vector_store %arg5[%swap3A_97, %swap3A_98], %select_n3A_96 {strides = array<i32>} : memref<16x4xf32, #tpu.memory_space<vmem>>, vector<16x1xf32>,
    %select_n3A_100 = arith.select %lt3A_95, %select_n3A_88, %get3A_94 : vector<16x1xi1>, vector<16x1xi32>
    %swap3A_101 = arith.constant 0 : index
    %swap3A_102 = arith.constant 3 : index
    %swap3A_103 = vector.load %arg6[%swap3A_101, %swap3A_102] : memref<16x4xi32, #tpu.memory_space<vmem>>, vector<16x1xi32>
    tpu.vector_store %arg6[%swap3A_101, %swap3A_102], %select_n3A_100 {strides = array<i32>} : memref<16x4xi32, #tpu.memory_space<vmem>>, vector<16x1xi32>,
    %get3A_104 = arith.constant 0 : index
    %get3A_105 = arith.constant 0 : index
    %get3A_106 = vector.load %arg5[%get3A_104, %get3A_105] : memref<16x4xf32, #tpu.memory_space<vmem>>, vector<16x1xf32>
    %get3A_107 = arith.constant 0 : index
    %get3A_108 = arith.constant 0 : index
    %get3A_109 = vector.load %arg6[%get3A_107, %get3A_108] : memref<16x4xi32, #tpu.memory_space<vmem>>, vector<16x1xi32>
    %lt3A_110 = arith.cmpf olt, %broadcast_in_dim3A_31, %get3A_106 : vector<16x1xf32>
    %select_n3A_111 = arith.select %lt3A_110, %broadcast_in_dim3A_31, %get3A_106 : vector<16x1xi1>, vector<16x1xf32>
    %swap3A_112 = arith.constant 0 : index
    %swap3A_113 = arith.constant 0 : index
    %swap3A_114 = vector.load %arg5[%swap3A_112, %swap3A_113] : memref<16x4xf32, #tpu.memory_space<vmem>>, vector<16x1xf32>
    tpu.vector_store %arg5[%swap3A_112, %swap3A_113], %select_n3A_111 {strides = array<i32>} : memref<16x4xf32, #tpu.memory_space<vmem>>, vector<16x1xf32>,
    %select_n3A_115 = arith.select %lt3A_110, %broadcast_in_dim3A_39, %get3A_109 : vector<16x1xi1>, vector<16x1xi32>
    %swap3A_116 = arith.constant 0 : index
    %swap3A_117 = arith.constant 0 : index
    %swap3A_118 = vector.load %arg6[%swap3A_116, %swap3A_117] : memref<16x4xi32, #tpu.memory_space<vmem>>, vector<16x1xi32>
    tpu.vector_store %arg6[%swap3A_116, %swap3A_117], %select_n3A_115 {strides = array<i32>} : memref<16x4xi32, #tpu.memory_space<vmem>>, vector<16x1xi32>,
    %select_n3A_119 = arith.select %lt3A_110, %get3A_106, %broadcast_in_dim3A_31 : vector<16x1xi1>, vector<16x1xf32>
    %select_n3A_120 = arith.select %lt3A_110, %get3A_109, %broadcast_in_dim3A_39 : vector<16x1xi1>, vector<16x1xi32>
    %get3A_121 = arith.constant 0 : index
    %get3A_122 = arith.constant 1 : index
    %get3A_123 = vector.load %arg5[%get3A_121, %get3A_122] : memref<16x4xf32, #tpu.memory_space<vmem>>, vector<16x1xf32>
    %get3A_124 = arith.constant 0 : index
    %get3A_125 = arith.constant 1 : index
    %get3A_126 = vector.load %arg6[%get3A_124, %get3A_125] : memref<16x4xi32, #tpu.memory_space<vmem>>, vector<16x1xi32>
    %lt3A_127 = arith.cmpf olt, %select_n3A_119, %get3A_123 : vector<16x1xf32>
    %select_n3A_128 = arith.select %lt3A_127, %select_n3A_119, %get3A_123 : vector<16x1xi1>, vector<16x1xf32>
    %swap3A_129 = arith.constant 0 : index
    %swap3A_130 = arith.constant 1 : index
    %swap3A_131 = vector.load %arg5[%swap3A_129, %swap3A_130] : memref<16x4xf32, #tpu.memory_space<vmem>>, vector<16x1xf32>
    tpu.vector_store %arg5[%swap3A_129, %swap3A_130], %select_n3A_128 {strides = array<i32>} : memref<16x4xf32, #tpu.memory_space<vmem>>, vector<16x1xf32>,
    %select_n3A_132 = arith.select %lt3A_127, %select_n3A_120, %get3A_126 : vector<16x1xi1>, vector<16x1xi32>
    %swap3A_133 = arith.constant 0 : index
    %swap3A_134 = arith.constant 1 : index
    %swap3A_135 = vector.load %arg6[%swap3A_133, %swap3A_134] : memref<16x4xi32, #tpu.memory_space<vmem>>, vector<16x1xi32>
    tpu.vector_store %arg6[%swap3A_133, %swap3A_134], %select_n3A_132 {strides = array<i32>} : memref<16x4xi32, #tpu.memory_space<vmem>>, vector<16x1xi32>,
    %select_n3A_136 = arith.select %lt3A_127, %get3A_123, %select_n3A_119 : vector<16x1xi1>, vector<16x1xf32>
    %select_n3A_137 = arith.select %lt3A_127, %get3A_126, %select_n3A_120 : vector<16x1xi1>, vector<16x1xi32>
    %get3A_138 = arith.constant 0 : index
    %get3A_139 = arith.constant 2 : index
    %get3A_140 = vector.load %arg5[%get3A_138, %get3A_139] : memref<16x4xf32, #tpu.memory_space<vmem>>, vector<16x1xf32>
    %get3A_141 = arith.constant 0 : index
    %get3A_142 = arith.constant 2 : index
    %get3A_143 = vector.load %arg6[%get3A_141, %get3A_142] : memref<16x4xi32, #tpu.memory_space<vmem>>, vector<16x1xi32>
    %lt3A_144 = arith.cmpf olt, %select_n3A_136, %get3A_140 : vector<16x1xf32>
    %select_n3A_145 = arith.select %lt3A_144, %select_n3A_136, %get3A_140 : vector<16x1xi1>, vector<16x1xf32>
    %swap3A_146 = arith.constant 0 : index
    %swap3A_147 = arith.constant 2 : index
    %swap3A_148 = vector.load %arg5[%swap3A_146, %swap3A_147] : memref<16x4xf32, #tpu.memory_space<vmem>>, vector<16x1xf32>
    tpu.vector_store %arg5[%swap3A_146, %swap3A_147], %select_n3A_145 {strides = array<i32>} : memref<16x4xf32, #tpu.memory_space<vmem>>, vector<16x1xf32>,
    %select_n3A_149 = arith.select %lt3A_144, %select_n3A_137, %get3A_143 : vector<16x1xi1>, vector<16x1xi32>
    %swap3A_150 = arith.constant 0 : index
    %swap3A_151 = arith.constant 2 : index
    %swap3A_152 = vector.load %arg6[%swap3A_150, %swap3A_151] : memref<16x4xi32, #tpu.memory_space<vmem>>, vector<16x1xi32>
    tpu.vector_store %arg6[%swap3A_150, %swap3A_151], %select_n3A_149 {strides = array<i32>} : memref<16x4xi32, #tpu.memory_space<vmem>>, vector<16x1xi32>,
    %select_n3A_153 = arith.select %lt3A_144, %get3A_140, %select_n3A_136 : vector<16x1xi1>, vector<16x1xf32>
    %select_n3A_154 = arith.select %lt3A_144, %get3A_143, %select_n3A_137 : vector<16x1xi1>, vector<16x1xi32>
    %get3A_155 = arith.constant 0 : index
    %get3A_156 = arith.constant 3 : index
    %get3A_157 = vector.load %arg5[%get3A_155, %get3A_156] : memref<16x4xf32, #tpu.memory_space<vmem>>, vector<16x1xf32>
    %get3A_158 = arith.constant 0 : index
    %get3A_159 = arith.constant 3 : index
    %get3A_160 = vector.load %arg6[%get3A_158, %get3A_159] : memref<16x4xi32, #tpu.memory_space<vmem>>, vector<16x1xi32>
    %lt3A_161 = arith.cmpf olt, %select_n3A_153, %get3A_157 : vector<16x1xf32>
    %select_n3A_162 = arith.select %lt3A_161, %select_n3A_153, %get3A_157 : vector<16x1xi1>, vector<16x1xf32>
    %swap3A_163 = arith.constant 0 : index
    %swap3A_164 = arith.constant 3 : index
    %swap3A_165 = vector.load %arg5[%swap3A_163, %swap3A_164] : memref<16x4xf32, #tpu.memory_space<vmem>>, vector<16x1xf32>
    tpu.vector_store %arg5[%swap3A_163, %swap3A_164], %select_n3A_162 {strides = array<i32>} : memref<16x4xf32, #tpu.memory_space<vmem>>, vector<16x1xf32>,
    %select_n3A_166 = arith.select %lt3A_161, %select_n3A_154, %get3A_160 : vector<16x1xi1>, vector<16x1xi32>
    %swap3A_167 = arith.constant 0 : index
    %swap3A_168 = arith.constant 3 : index
    %swap3A_169 = vector.load %arg6[%swap3A_167, %swap3A_168] : memref<16x4xi32, #tpu.memory_space<vmem>>, vector<16x1xi32>
    tpu.vector_store %arg6[%swap3A_167, %swap3A_168], %select_n3A_166 {strides = array<i32>} : memref<16x4xi32, #tpu.memory_space<vmem>>, vector<16x1xi32>,
    %get3A_170 = arith.constant 0 : index
    %get3A_171 = arith.constant 0 : index
    %get3A_172 = vector.load %arg6[%get3A_170, %get3A_171] : memref<16x4xi32, #tpu.memory_space<vmem>>, vector<16x4xi32>
    %swap3A_173 = arith.constant 0 : index
    %swap3A_174 = arith.constant 0 : index
    %swap3A_175 = vector.load %arg4[%swap3A_173, %swap3A_174] : memref<16x4xi32, #tpu.memory_space<vmem>>, vector<16x4xi32>
    tpu.vector_store %arg4[%swap3A_173, %swap3A_174], %get3A_172 {strides = array<i32>} : memref<16x4xi32, #tpu.memory_space<vmem>>, vector<16x4xi32>,
    return
  }
  func.func @transform_0(%arg0: i32) -> (i32, i32) {
    %c0_i32 = arith.constant 0 : i32
    %c0_i32_0 = arith.constant 0 : i32
    %c0_i32_1 = arith.constant 0 : i32
    return %c0_i32, %c0_i32_0 : i32, i32
  }
  func.func @transform_1(%arg0: i32) -> (i32, i32) {
    %c0_i32 = arith.constant 0 : i32
    %c0_i32_0 = arith.constant 0 : i32
    %c0_i32_1 = arith.constant 0 : i32
    return %c0_i32, %c0_i32_0 : i32, i32
  }
  func.func @transform_2(%arg0: i32) -> (i32, i32) {
    %c0_i32 = arith.constant 0 : i32
    %c0_i32_0 = arith.constant 0 : i32
    return %arg0, %c0_i32 : i32, i32
  }
  func.func @transform_3(%arg0: i32) -> (i32, i32) {
    %c0_i32 = arith.constant 0 : i32
    %c0_i32_0 = arith.constant 0 : i32
    %c0_i32_1 = arith.constant 0 : i32
    return %c0_i32, %c0_i32_0 : i32, i32
  }
}

module attributes {stable_mosaic.version = 14 : i64} {
  func.func @_gather_body(%arg0: memref<16xi32, #tpu.memory_space<smem>>, %arg1: memref<1000000x34xf32, #tpu.memory_space<any>>, %arg2: memref<16x34xf32, #tpu.memory_space<vmem>>, %arg3: memref<!tpu.dma_semaphore, #tpu.memory_space<semaphore_mem>>) attributes {dimension_semantics = [], scalar_prefetch = 0 : i64, scratch_operands = 1 : i64, tpu.core_type = #tpu.core_type<tc>} {
    %get3A = arith.constant 0 : index
    %get3A_0 = memref.load %arg0[%get3A] : memref<16xi32, #tpu.memory_space<smem>>
    %dma_start3A = arith.constant 0 : i32
    %dma_start3A_1 = arith.constant 0 : i32
    %dma_start3A_2 = tpu.memref_slice %arg2[%dma_start3A, %dma_start3A_1] : memref<16x34xf32, #tpu.memory_space<vmem>> -> memref<1x34xf32, #tpu.memory_space<vmem>>
    %dma_start3A_3 = arith.constant 0 : i32
    %dma_start3A_4 = tpu.memref_slice %arg1[%get3A_0, %dma_start3A_3] : memref<1000000x34xf32, #tpu.memory_space<any>> -> memref<1x34xf32, #tpu.memory_space<any>>
    tpu.enqueue_dma source(%dma_start3A_4 : memref<1x34xf32, #tpu.memory_space<any>>) target(%dma_start3A_2 : memref<1x34xf32, #tpu.memory_space<vmem>>) target_semaphore(%arg3 : memref<!tpu.dma_semaphore, #tpu.memory_space<semaphore_mem>>)
    %get3A_5 = arith.constant 1 : index
    %get3A_6 = memref.load %arg0[%get3A_5] : memref<16xi32, #tpu.memory_space<smem>>
    %dma_start3A_7 = arith.constant 1 : i32
    %dma_start3A_8 = arith.constant 0 : i32
    %dma_start3A_9 = tpu.memref_slice %arg2[%dma_start3A_7, %dma_start3A_8] : memref<16x34xf32, #tpu.memory_space<vmem>> -> memref<1x34xf32, #tpu.memory_space<vmem>>
    %dma_start3A_10 = arith.constant 0 : i32
    %dma_start3A_11 = tpu.memref_slice %arg1[%get3A_6, %dma_start3A_10] : memref<1000000x34xf32, #tpu.memory_space<any>> -> memref<1x34xf32, #tpu.memory_space<any>>
    tpu.enqueue_dma source(%dma_start3A_11 : memref<1x34xf32, #tpu.memory_space<any>>) target(%dma_start3A_9 : memref<1x34xf32, #tpu.memory_space<vmem>>) target_semaphore(%arg3 : memref<!tpu.dma_semaphore, #tpu.memory_space<semaphore_mem>>)
    %get3A_12 = arith.constant 2 : index
    %get3A_13 = memref.load %arg0[%get3A_12] : memref<16xi32, #tpu.memory_space<smem>>
    %dma_start3A_14 = arith.constant 2 : i32
    %dma_start3A_15 = arith.constant 0 : i32
    %dma_start3A_16 = tpu.memref_slice %arg2[%dma_start3A_14, %dma_start3A_15] : memref<16x34xf32, #tpu.memory_space<vmem>> -> memref<1x34xf32, #tpu.memory_space<vmem>>
    %dma_start3A_17 = arith.constant 0 : i32
    %dma_start3A_18 = tpu.memref_slice %arg1[%get3A_13, %dma_start3A_17] : memref<1000000x34xf32, #tpu.memory_space<any>> -> memref<1x34xf32, #tpu.memory_space<any>>
    tpu.enqueue_dma source(%dma_start3A_18 : memref<1x34xf32, #tpu.memory_space<any>>) target(%dma_start3A_16 : memref<1x34xf32, #tpu.memory_space<vmem>>) target_semaphore(%arg3 : memref<!tpu.dma_semaphore, #tpu.memory_space<semaphore_mem>>)
    %get3A_19 = arith.constant 3 : index
    %get3A_20 = memref.load %arg0[%get3A_19] : memref<16xi32, #tpu.memory_space<smem>>
    %dma_start3A_21 = arith.constant 3 : i32
    %dma_start3A_22 = arith.constant 0 : i32
    %dma_start3A_23 = tpu.memref_slice %arg2[%dma_start3A_21, %dma_start3A_22] : memref<16x34xf32, #tpu.memory_space<vmem>> -> memref<1x34xf32, #tpu.memory_space<vmem>>
    %dma_start3A_24 = arith.constant 0 : i32
    %dma_start3A_25 = tpu.memref_slice %arg1[%get3A_20, %dma_start3A_24] : memref<1000000x34xf32, #tpu.memory_space<any>> -> memref<1x34xf32, #tpu.memory_space<any>>
    tpu.enqueue_dma source(%dma_start3A_25 : memref<1x34xf32, #tpu.memory_space<any>>) target(%dma_start3A_23 : memref<1x34xf32, #tpu.memory_space<vmem>>) target_semaphore(%arg3 : memref<!tpu.dma_semaphore, #tpu.memory_space<semaphore_mem>>)
    %get3A_26 = arith.constant 4 : index
    %get3A_27 = memref.load %arg0[%get3A_26] : memref<16xi32, #tpu.memory_space<smem>>
    %dma_start3A_28 = arith.constant 4 : i32
    %dma_start3A_29 = arith.constant 0 : i32
    %dma_start3A_30 = tpu.memref_slice %arg2[%dma_start3A_28, %dma_start3A_29] : memref<16x34xf32, #tpu.memory_space<vmem>> -> memref<1x34xf32, #tpu.memory_space<vmem>>
    %dma_start3A_31 = arith.constant 0 : i32
    %dma_start3A_32 = tpu.memref_slice %arg1[%get3A_27, %dma_start3A_31] : memref<1000000x34xf32, #tpu.memory_space<any>> -> memref<1x34xf32, #tpu.memory_space<any>>
    tpu.enqueue_dma source(%dma_start3A_32 : memref<1x34xf32, #tpu.memory_space<any>>) target(%dma_start3A_30 : memref<1x34xf32, #tpu.memory_space<vmem>>) target_semaphore(%arg3 : memref<!tpu.dma_semaphore, #tpu.memory_space<semaphore_mem>>)
    %get3A_33 = arith.constant 5 : index
    %get3A_34 = memref.load %arg0[%get3A_33] : memref<16xi32, #tpu.memory_space<smem>>
    %dma_start3A_35 = arith.constant 5 : i32
    %dma_start3A_36 = arith.constant 0 : i32
    %dma_start3A_37 = tpu.memref_slice %arg2[%dma_start3A_35, %dma_start3A_36] : memref<16x34xf32, #tpu.memory_space<vmem>> -> memref<1x34xf32, #tpu.memory_space<vmem>>
    %dma_start3A_38 = arith.constant 0 : i32
    %dma_start3A_39 = tpu.memref_slice %arg1[%get3A_34, %dma_start3A_38] : memref<1000000x34xf32, #tpu.memory_space<any>> -> memref<1x34xf32, #tpu.memory_space<any>>
    tpu.enqueue_dma source(%dma_start3A_39 : memref<1x34xf32, #tpu.memory_space<any>>) target(%dma_start3A_37 : memref<1x34xf32, #tpu.memory_space<vmem>>) target_semaphore(%arg3 : memref<!tpu.dma_semaphore, #tpu.memory_space<semaphore_mem>>)
    %get3A_40 = arith.constant 6 : index
    %get3A_41 = memref.load %arg0[%get3A_40] : memref<16xi32, #tpu.memory_space<smem>>
    %dma_start3A_42 = arith.constant 6 : i32
    %dma_start3A_43 = arith.constant 0 : i32
    %dma_start3A_44 = tpu.memref_slice %arg2[%dma_start3A_42, %dma_start3A_43] : memref<16x34xf32, #tpu.memory_space<vmem>> -> memref<1x34xf32, #tpu.memory_space<vmem>>
    %dma_start3A_45 = arith.constant 0 : i32
    %dma_start3A_46 = tpu.memref_slice %arg1[%get3A_41, %dma_start3A_45] : memref<1000000x34xf32, #tpu.memory_space<any>> -> memref<1x34xf32, #tpu.memory_space<any>>
    tpu.enqueue_dma source(%dma_start3A_46 : memref<1x34xf32, #tpu.memory_space<any>>) target(%dma_start3A_44 : memref<1x34xf32, #tpu.memory_space<vmem>>) target_semaphore(%arg3 : memref<!tpu.dma_semaphore, #tpu.memory_space<semaphore_mem>>)
    %get3A_47 = arith.constant 7 : index
    %get3A_48 = memref.load %arg0[%get3A_47] : memref<16xi32, #tpu.memory_space<smem>>
    %dma_start3A_49 = arith.constant 7 : i32
    %dma_start3A_50 = arith.constant 0 : i32
    %dma_start3A_51 = tpu.memref_slice %arg2[%dma_start3A_49, %dma_start3A_50] : memref<16x34xf32, #tpu.memory_space<vmem>> -> memref<1x34xf32, #tpu.memory_space<vmem>>
    %dma_start3A_52 = arith.constant 0 : i32
    %dma_start3A_53 = tpu.memref_slice %arg1[%get3A_48, %dma_start3A_52] : memref<1000000x34xf32, #tpu.memory_space<any>> -> memref<1x34xf32, #tpu.memory_space<any>>
    tpu.enqueue_dma source(%dma_start3A_53 : memref<1x34xf32, #tpu.memory_space<any>>) target(%dma_start3A_51 : memref<1x34xf32, #tpu.memory_space<vmem>>) target_semaphore(%arg3 : memref<!tpu.dma_semaphore, #tpu.memory_space<semaphore_mem>>)
    %get3A_54 = arith.constant 8 : index
    %get3A_55 = memref.load %arg0[%get3A_54] : memref<16xi32, #tpu.memory_space<smem>>
    %dma_start3A_56 = arith.constant 8 : i32
    %dma_start3A_57 = arith.constant 0 : i32
    %dma_start3A_58 = tpu.memref_slice %arg2[%dma_start3A_56, %dma_start3A_57] : memref<16x34xf32, #tpu.memory_space<vmem>> -> memref<1x34xf32, #tpu.memory_space<vmem>>
    %dma_start3A_59 = arith.constant 0 : i32
    %dma_start3A_60 = tpu.memref_slice %arg1[%get3A_55, %dma_start3A_59] : memref<1000000x34xf32, #tpu.memory_space<any>> -> memref<1x34xf32, #tpu.memory_space<any>>
    tpu.enqueue_dma source(%dma_start3A_60 : memref<1x34xf32, #tpu.memory_space<any>>) target(%dma_start3A_58 : memref<1x34xf32, #tpu.memory_space<vmem>>) target_semaphore(%arg3 : memref<!tpu.dma_semaphore, #tpu.memory_space<semaphore_mem>>)
    %get3A_61 = arith.constant 9 : index
    %get3A_62 = memref.load %arg0[%get3A_61] : memref<16xi32, #tpu.memory_space<smem>>
    %dma_start3A_63 = arith.constant 9 : i32
    %dma_start3A_64 = arith.constant 0 : i32
    %dma_start3A_65 = tpu.memref_slice %arg2[%dma_start3A_63, %dma_start3A_64] : memref<16x34xf32, #tpu.memory_space<vmem>> -> memref<1x34xf32, #tpu.memory_space<vmem>>
    %dma_start3A_66 = arith.constant 0 : i32
    %dma_start3A_67 = tpu.memref_slice %arg1[%get3A_62, %dma_start3A_66] : memref<1000000x34xf32, #tpu.memory_space<any>> -> memref<1x34xf32, #tpu.memory_space<any>>
    tpu.enqueue_dma source(%dma_start3A_67 : memref<1x34xf32, #tpu.memory_space<any>>) target(%dma_start3A_65 : memref<1x34xf32, #tpu.memory_space<vmem>>) target_semaphore(%arg3 : memref<!tpu.dma_semaphore, #tpu.memory_space<semaphore_mem>>)
    %get3A_68 = arith.constant 10 : index
    %get3A_69 = memref.load %arg0[%get3A_68] : memref<16xi32, #tpu.memory_space<smem>>
    %dma_start3A_70 = arith.constant 10 : i32
    %dma_start3A_71 = arith.constant 0 : i32
    %dma_start3A_72 = tpu.memref_slice %arg2[%dma_start3A_70, %dma_start3A_71] : memref<16x34xf32, #tpu.memory_space<vmem>> -> memref<1x34xf32, #tpu.memory_space<vmem>>
    %dma_start3A_73 = arith.constant 0 : i32
    %dma_start3A_74 = tpu.memref_slice %arg1[%get3A_69, %dma_start3A_73] : memref<1000000x34xf32, #tpu.memory_space<any>> -> memref<1x34xf32, #tpu.memory_space<any>>
    tpu.enqueue_dma source(%dma_start3A_74 : memref<1x34xf32, #tpu.memory_space<any>>) target(%dma_start3A_72 : memref<1x34xf32, #tpu.memory_space<vmem>>) target_semaphore(%arg3 : memref<!tpu.dma_semaphore, #tpu.memory_space<semaphore_mem>>)
    %get3A_75 = arith.constant 11 : index
    %get3A_76 = memref.load %arg0[%get3A_75] : memref<16xi32, #tpu.memory_space<smem>>
    %dma_start3A_77 = arith.constant 11 : i32
    %dma_start3A_78 = arith.constant 0 : i32
    %dma_start3A_79 = tpu.memref_slice %arg2[%dma_start3A_77, %dma_start3A_78] : memref<16x34xf32, #tpu.memory_space<vmem>> -> memref<1x34xf32, #tpu.memory_space<vmem>>
    %dma_start3A_80 = arith.constant 0 : i32
    %dma_start3A_81 = tpu.memref_slice %arg1[%get3A_76, %dma_start3A_80] : memref<1000000x34xf32, #tpu.memory_space<any>> -> memref<1x34xf32, #tpu.memory_space<any>>
    tpu.enqueue_dma source(%dma_start3A_81 : memref<1x34xf32, #tpu.memory_space<any>>) target(%dma_start3A_79 : memref<1x34xf32, #tpu.memory_space<vmem>>) target_semaphore(%arg3 : memref<!tpu.dma_semaphore, #tpu.memory_space<semaphore_mem>>)
    %get3A_82 = arith.constant 12 : index
    %get3A_83 = memref.load %arg0[%get3A_82] : memref<16xi32, #tpu.memory_space<smem>>
    %dma_start3A_84 = arith.constant 12 : i32
    %dma_start3A_85 = arith.constant 0 : i32
    %dma_start3A_86 = tpu.memref_slice %arg2[%dma_start3A_84, %dma_start3A_85] : memref<16x34xf32, #tpu.memory_space<vmem>> -> memref<1x34xf32, #tpu.memory_space<vmem>>
    %dma_start3A_87 = arith.constant 0 : i32
    %dma_start3A_88 = tpu.memref_slice %arg1[%get3A_83, %dma_start3A_87] : memref<1000000x34xf32, #tpu.memory_space<any>> -> memref<1x34xf32, #tpu.memory_space<any>>
    tpu.enqueue_dma source(%dma_start3A_88 : memref<1x34xf32, #tpu.memory_space<any>>) target(%dma_start3A_86 : memref<1x34xf32, #tpu.memory_space<vmem>>) target_semaphore(%arg3 : memref<!tpu.dma_semaphore, #tpu.memory_space<semaphore_mem>>)
    %get3A_89 = arith.constant 13 : index
    %get3A_90 = memref.load %arg0[%get3A_89] : memref<16xi32, #tpu.memory_space<smem>>
    %dma_start3A_91 = arith.constant 13 : i32
    %dma_start3A_92 = arith.constant 0 : i32
    %dma_start3A_93 = tpu.memref_slice %arg2[%dma_start3A_91, %dma_start3A_92] : memref<16x34xf32, #tpu.memory_space<vmem>> -> memref<1x34xf32, #tpu.memory_space<vmem>>
    %dma_start3A_94 = arith.constant 0 : i32
    %dma_start3A_95 = tpu.memref_slice %arg1[%get3A_90, %dma_start3A_94] : memref<1000000x34xf32, #tpu.memory_space<any>> -> memref<1x34xf32, #tpu.memory_space<any>>
    tpu.enqueue_dma source(%dma_start3A_95 : memref<1x34xf32, #tpu.memory_space<any>>) target(%dma_start3A_93 : memref<1x34xf32, #tpu.memory_space<vmem>>) target_semaphore(%arg3 : memref<!tpu.dma_semaphore, #tpu.memory_space<semaphore_mem>>)
    %get3A_96 = arith.constant 14 : index
    %get3A_97 = memref.load %arg0[%get3A_96] : memref<16xi32, #tpu.memory_space<smem>>
    %dma_start3A_98 = arith.constant 14 : i32
    %dma_start3A_99 = arith.constant 0 : i32
    %dma_start3A_100 = tpu.memref_slice %arg2[%dma_start3A_98, %dma_start3A_99] : memref<16x34xf32, #tpu.memory_space<vmem>> -> memref<1x34xf32, #tpu.memory_space<vmem>>
    %dma_start3A_101 = arith.constant 0 : i32
    %dma_start3A_102 = tpu.memref_slice %arg1[%get3A_97, %dma_start3A_101] : memref<1000000x34xf32, #tpu.memory_space<any>> -> memref<1x34xf32, #tpu.memory_space<any>>
    tpu.enqueue_dma source(%dma_start3A_102 : memref<1x34xf32, #tpu.memory_space<any>>) target(%dma_start3A_100 : memref<1x34xf32, #tpu.memory_space<vmem>>) target_semaphore(%arg3 : memref<!tpu.dma_semaphore, #tpu.memory_space<semaphore_mem>>)
    %get3A_103 = arith.constant 15 : index
    %get3A_104 = memref.load %arg0[%get3A_103] : memref<16xi32, #tpu.memory_space<smem>>
    %dma_start3A_105 = arith.constant 15 : i32
    %dma_start3A_106 = arith.constant 0 : i32
    %dma_start3A_107 = tpu.memref_slice %arg2[%dma_start3A_105, %dma_start3A_106] : memref<16x34xf32, #tpu.memory_space<vmem>> -> memref<1x34xf32, #tpu.memory_space<vmem>>
    %dma_start3A_108 = arith.constant 0 : i32
    %dma_start3A_109 = tpu.memref_slice %arg1[%get3A_104, %dma_start3A_108] : memref<1000000x34xf32, #tpu.memory_space<any>> -> memref<1x34xf32, #tpu.memory_space<any>>
    tpu.enqueue_dma source(%dma_start3A_109 : memref<1x34xf32, #tpu.memory_space<any>>) target(%dma_start3A_107 : memref<1x34xf32, #tpu.memory_space<vmem>>) target_semaphore(%arg3 : memref<!tpu.dma_semaphore, #tpu.memory_space<semaphore_mem>>)
    %dma_wait3A = arith.constant 0 : i32
    %dma_wait3A_110 = arith.constant 0 : i32
    %dma_wait3A_111 = tpu.memref_slice %arg2[%dma_wait3A, %dma_wait3A_110] : memref<16x34xf32, #tpu.memory_space<vmem>> -> memref<1x34xf32, #tpu.memory_space<vmem>>
    %dma_wait3A_112 = arith.constant 0 : i32
    %dma_wait3A_113 = arith.constant 0 : i32
    %dma_wait3A_114 = tpu.memref_slice %arg1[%dma_wait3A_112, %dma_wait3A_113] : memref<1000000x34xf32, #tpu.memory_space<any>> -> memref<1x34xf32, #tpu.memory_space<any>>
    tpu.wait_dma2 semaphore(%arg3 : memref<!tpu.dma_semaphore, #tpu.memory_space<semaphore_mem>>) src(%dma_wait3A_114 : memref<1x34xf32, #tpu.memory_space<any>>) dst(%dma_wait3A_111 : memref<1x34xf32, #tpu.memory_space<vmem>>)
    %dma_wait3A_115 = arith.constant 1 : i32
    %dma_wait3A_116 = arith.constant 0 : i32
    %dma_wait3A_117 = tpu.memref_slice %arg2[%dma_wait3A_115, %dma_wait3A_116] : memref<16x34xf32, #tpu.memory_space<vmem>> -> memref<1x34xf32, #tpu.memory_space<vmem>>
    %dma_wait3A_118 = arith.constant 0 : i32
    %dma_wait3A_119 = arith.constant 0 : i32
    %dma_wait3A_120 = tpu.memref_slice %arg1[%dma_wait3A_118, %dma_wait3A_119] : memref<1000000x34xf32, #tpu.memory_space<any>> -> memref<1x34xf32, #tpu.memory_space<any>>
    tpu.wait_dma2 semaphore(%arg3 : memref<!tpu.dma_semaphore, #tpu.memory_space<semaphore_mem>>) src(%dma_wait3A_120 : memref<1x34xf32, #tpu.memory_space<any>>) dst(%dma_wait3A_117 : memref<1x34xf32, #tpu.memory_space<vmem>>)
    %dma_wait3A_121 = arith.constant 2 : i32
    %dma_wait3A_122 = arith.constant 0 : i32
    %dma_wait3A_123 = tpu.memref_slice %arg2[%dma_wait3A_121, %dma_wait3A_122] : memref<16x34xf32, #tpu.memory_space<vmem>> -> memref<1x34xf32, #tpu.memory_space<vmem>>
    %dma_wait3A_124 = arith.constant 0 : i32
    %dma_wait3A_125 = arith.constant 0 : i32
    %dma_wait3A_126 = tpu.memref_slice %arg1[%dma_wait3A_124, %dma_wait3A_125] : memref<1000000x34xf32, #tpu.memory_space<any>> -> memref<1x34xf32, #tpu.memory_space<any>>
    tpu.wait_dma2 semaphore(%arg3 : memref<!tpu.dma_semaphore, #tpu.memory_space<semaphore_mem>>) src(%dma_wait3A_126 : memref<1x34xf32, #tpu.memory_space<any>>) dst(%dma_wait3A_123 : memref<1x34xf32, #tpu.memory_space<vmem>>)
    %dma_wait3A_127 = arith.constant 3 : i32
    %dma_wait3A_128 = arith.constant 0 : i32
    %dma_wait3A_129 = tpu.memref_slice %arg2[%dma_wait3A_127, %dma_wait3A_128] : memref<16x34xf32, #tpu.memory_space<vmem>> -> memref<1x34xf32, #tpu.memory_space<vmem>>
    %dma_wait3A_130 = arith.constant 0 : i32
    %dma_wait3A_131 = arith.constant 0 : i32
    %dma_wait3A_132 = tpu.memref_slice %arg1[%dma_wait3A_130, %dma_wait3A_131] : memref<1000000x34xf32, #tpu.memory_space<any>> -> memref<1x34xf32, #tpu.memory_space<any>>
    tpu.wait_dma2 semaphore(%arg3 : memref<!tpu.dma_semaphore, #tpu.memory_space<semaphore_mem>>) src(%dma_wait3A_132 : memref<1x34xf32, #tpu.memory_space<any>>) dst(%dma_wait3A_129 : memref<1x34xf32, #tpu.memory_space<vmem>>)
    %dma_wait3A_133 = arith.constant 4 : i32
    %dma_wait3A_134 = arith.constant 0 : i32
    %dma_wait3A_135 = tpu.memref_slice %arg2[%dma_wait3A_133, %dma_wait3A_134] : memref<16x34xf32, #tpu.memory_space<vmem>> -> memref<1x34xf32, #tpu.memory_space<vmem>>
    %dma_wait3A_136 = arith.constant 0 : i32
    %dma_wait3A_137 = arith.constant 0 : i32
    %dma_wait3A_138 = tpu.memref_slice %arg1[%dma_wait3A_136, %dma_wait3A_137] : memref<1000000x34xf32, #tpu.memory_space<any>> -> memref<1x34xf32, #tpu.memory_space<any>>
    tpu.wait_dma2 semaphore(%arg3 : memref<!tpu.dma_semaphore, #tpu.memory_space<semaphore_mem>>) src(%dma_wait3A_138 : memref<1x34xf32, #tpu.memory_space<any>>) dst(%dma_wait3A_135 : memref<1x34xf32, #tpu.memory_space<vmem>>)
    %dma_wait3A_139 = arith.constant 5 : i32
    %dma_wait3A_140 = arith.constant 0 : i32
    %dma_wait3A_141 = tpu.memref_slice %arg2[%dma_wait3A_139, %dma_wait3A_140] : memref<16x34xf32, #tpu.memory_space<vmem>> -> memref<1x34xf32, #tpu.memory_space<vmem>>
    %dma_wait3A_142 = arith.constant 0 : i32
    %dma_wait3A_143 = arith.constant 0 : i32
    %dma_wait3A_144 = tpu.memref_slice %arg1[%dma_wait3A_142, %dma_wait3A_143] : memref<1000000x34xf32, #tpu.memory_space<any>> -> memref<1x34xf32, #tpu.memory_space<any>>
    tpu.wait_dma2 semaphore(%arg3 : memref<!tpu.dma_semaphore, #tpu.memory_space<semaphore_mem>>) src(%dma_wait3A_144 : memref<1x34xf32, #tpu.memory_space<any>>) dst(%dma_wait3A_141 : memref<1x34xf32, #tpu.memory_space<vmem>>)
    %dma_wait3A_145 = arith.constant 6 : i32
    %dma_wait3A_146 = arith.constant 0 : i32
    %dma_wait3A_147 = tpu.memref_slice %arg2[%dma_wait3A_145, %dma_wait3A_146] : memref<16x34xf32, #tpu.memory_space<vmem>> -> memref<1x34xf32, #tpu.memory_space<vmem>>
    %dma_wait3A_148 = arith.constant 0 : i32
    %dma_wait3A_149 = arith.constant 0 : i32
    %dma_wait3A_150 = tpu.memref_slice %arg1[%dma_wait3A_148, %dma_wait3A_149] : memref<1000000x34xf32, #tpu.memory_space<any>> -> memref<1x34xf32, #tpu.memory_space<any>>
    tpu.wait_dma2 semaphore(%arg3 : memref<!tpu.dma_semaphore, #tpu.memory_space<semaphore_mem>>) src(%dma_wait3A_150 : memref<1x34xf32, #tpu.memory_space<any>>) dst(%dma_wait3A_147 : memref<1x34xf32, #tpu.memory_space<vmem>>)
    %dma_wait3A_151 = arith.constant 7 : i32
    %dma_wait3A_152 = arith.constant 0 : i32
    %dma_wait3A_153 = tpu.memref_slice %arg2[%dma_wait3A_151, %dma_wait3A_152] : memref<16x34xf32, #tpu.memory_space<vmem>> -> memref<1x34xf32, #tpu.memory_space<vmem>>
    %dma_wait3A_154 = arith.constant 0 : i32
    %dma_wait3A_155 = arith.constant 0 : i32
    %dma_wait3A_156 = tpu.memref_slice %arg1[%dma_wait3A_154, %dma_wait3A_155] : memref<1000000x34xf32, #tpu.memory_space<any>> -> memref<1x34xf32, #tpu.memory_space<any>>
    tpu.wait_dma2 semaphore(%arg3 : memref<!tpu.dma_semaphore, #tpu.memory_space<semaphore_mem>>) src(%dma_wait3A_156 : memref<1x34xf32, #tpu.memory_space<any>>) dst(%dma_wait3A_153 : memref<1x34xf32, #tpu.memory_space<vmem>>)
    %dma_wait3A_157 = arith.constant 8 : i32
    %dma_wait3A_158 = arith.constant 0 : i32
    %dma_wait3A_159 = tpu.memref_slice %arg2[%dma_wait3A_157, %dma_wait3A_158] : memref<16x34xf32, #tpu.memory_space<vmem>> -> memref<1x34xf32, #tpu.memory_space<vmem>>
    %dma_wait3A_160 = arith.constant 0 : i32
    %dma_wait3A_161 = arith.constant 0 : i32
    %dma_wait3A_162 = tpu.memref_slice %arg1[%dma_wait3A_160, %dma_wait3A_161] : memref<1000000x34xf32, #tpu.memory_space<any>> -> memref<1x34xf32, #tpu.memory_space<any>>
    tpu.wait_dma2 semaphore(%arg3 : memref<!tpu.dma_semaphore, #tpu.memory_space<semaphore_mem>>) src(%dma_wait3A_162 : memref<1x34xf32, #tpu.memory_space<any>>) dst(%dma_wait3A_159 : memref<1x34xf32, #tpu.memory_space<vmem>>)
    %dma_wait3A_163 = arith.constant 9 : i32
    %dma_wait3A_164 = arith.constant 0 : i32
    %dma_wait3A_165 = tpu.memref_slice %arg2[%dma_wait3A_163, %dma_wait3A_164] : memref<16x34xf32, #tpu.memory_space<vmem>> -> memref<1x34xf32, #tpu.memory_space<vmem>>
    %dma_wait3A_166 = arith.constant 0 : i32
    %dma_wait3A_167 = arith.constant 0 : i32
    %dma_wait3A_168 = tpu.memref_slice %arg1[%dma_wait3A_166, %dma_wait3A_167] : memref<1000000x34xf32, #tpu.memory_space<any>> -> memref<1x34xf32, #tpu.memory_space<any>>
    tpu.wait_dma2 semaphore(%arg3 : memref<!tpu.dma_semaphore, #tpu.memory_space<semaphore_mem>>) src(%dma_wait3A_168 : memref<1x34xf32, #tpu.memory_space<any>>) dst(%dma_wait3A_165 : memref<1x34xf32, #tpu.memory_space<vmem>>)
    %dma_wait3A_169 = arith.constant 10 : i32
    %dma_wait3A_170 = arith.constant 0 : i32
    %dma_wait3A_171 = tpu.memref_slice %arg2[%dma_wait3A_169, %dma_wait3A_170] : memref<16x34xf32, #tpu.memory_space<vmem>> -> memref<1x34xf32, #tpu.memory_space<vmem>>
    %dma_wait3A_172 = arith.constant 0 : i32
    %dma_wait3A_173 = arith.constant 0 : i32
    %dma_wait3A_174 = tpu.memref_slice %arg1[%dma_wait3A_172, %dma_wait3A_173] : memref<1000000x34xf32, #tpu.memory_space<any>> -> memref<1x34xf32, #tpu.memory_space<any>>
    tpu.wait_dma2 semaphore(%arg3 : memref<!tpu.dma_semaphore, #tpu.memory_space<semaphore_mem>>) src(%dma_wait3A_174 : memref<1x34xf32, #tpu.memory_space<any>>) dst(%dma_wait3A_171 : memref<1x34xf32, #tpu.memory_space<vmem>>)
    %dma_wait3A_175 = arith.constant 11 : i32
    %dma_wait3A_176 = arith.constant 0 : i32
    %dma_wait3A_177 = tpu.memref_slice %arg2[%dma_wait3A_175, %dma_wait3A_176] : memref<16x34xf32, #tpu.memory_space<vmem>> -> memref<1x34xf32, #tpu.memory_space<vmem>>
    %dma_wait3A_178 = arith.constant 0 : i32
    %dma_wait3A_179 = arith.constant 0 : i32
    %dma_wait3A_180 = tpu.memref_slice %arg1[%dma_wait3A_178, %dma_wait3A_179] : memref<1000000x34xf32, #tpu.memory_space<any>> -> memref<1x34xf32, #tpu.memory_space<any>>
    tpu.wait_dma2 semaphore(%arg3 : memref<!tpu.dma_semaphore, #tpu.memory_space<semaphore_mem>>) src(%dma_wait3A_180 : memref<1x34xf32, #tpu.memory_space<any>>) dst(%dma_wait3A_177 : memref<1x34xf32, #tpu.memory_space<vmem>>)
    %dma_wait3A_181 = arith.constant 12 : i32
    %dma_wait3A_182 = arith.constant 0 : i32
    %dma_wait3A_183 = tpu.memref_slice %arg2[%dma_wait3A_181, %dma_wait3A_182] : memref<16x34xf32, #tpu.memory_space<vmem>> -> memref<1x34xf32, #tpu.memory_space<vmem>>
    %dma_wait3A_184 = arith.constant 0 : i32
    %dma_wait3A_185 = arith.constant 0 : i32
    %dma_wait3A_186 = tpu.memref_slice %arg1[%dma_wait3A_184, %dma_wait3A_185] : memref<1000000x34xf32, #tpu.memory_space<any>> -> memref<1x34xf32, #tpu.memory_space<any>>
    tpu.wait_dma2 semaphore(%arg3 : memref<!tpu.dma_semaphore, #tpu.memory_space<semaphore_mem>>) src(%dma_wait3A_186 : memref<1x34xf32, #tpu.memory_space<any>>) dst(%dma_wait3A_183 : memref<1x34xf32, #tpu.memory_space<vmem>>)
    %dma_wait3A_187 = arith.constant 13 : i32
    %dma_wait3A_188 = arith.constant 0 : i32
    %dma_wait3A_189 = tpu.memref_slice %arg2[%dma_wait3A_187, %dma_wait3A_188] : memref<16x34xf32, #tpu.memory_space<vmem>> -> memref<1x34xf32, #tpu.memory_space<vmem>>
    %dma_wait3A_190 = arith.constant 0 : i32
    %dma_wait3A_191 = arith.constant 0 : i32
    %dma_wait3A_192 = tpu.memref_slice %arg1[%dma_wait3A_190, %dma_wait3A_191] : memref<1000000x34xf32, #tpu.memory_space<any>> -> memref<1x34xf32, #tpu.memory_space<any>>
    tpu.wait_dma2 semaphore(%arg3 : memref<!tpu.dma_semaphore, #tpu.memory_space<semaphore_mem>>) src(%dma_wait3A_192 : memref<1x34xf32, #tpu.memory_space<any>>) dst(%dma_wait3A_189 : memref<1x34xf32, #tpu.memory_space<vmem>>)
    %dma_wait3A_193 = arith.constant 14 : i32
    %dma_wait3A_194 = arith.constant 0 : i32
    %dma_wait3A_195 = tpu.memref_slice %arg2[%dma_wait3A_193, %dma_wait3A_194] : memref<16x34xf32, #tpu.memory_space<vmem>> -> memref<1x34xf32, #tpu.memory_space<vmem>>
    %dma_wait3A_196 = arith.constant 0 : i32
    %dma_wait3A_197 = arith.constant 0 : i32
    %dma_wait3A_198 = tpu.memref_slice %arg1[%dma_wait3A_196, %dma_wait3A_197] : memref<1000000x34xf32, #tpu.memory_space<any>> -> memref<1x34xf32, #tpu.memory_space<any>>
    tpu.wait_dma2 semaphore(%arg3 : memref<!tpu.dma_semaphore, #tpu.memory_space<semaphore_mem>>) src(%dma_wait3A_198 : memref<1x34xf32, #tpu.memory_space<any>>) dst(%dma_wait3A_195 : memref<1x34xf32, #tpu.memory_space<vmem>>)
    %dma_wait3A_199 = arith.constant 15 : i32
    %dma_wait3A_200 = arith.constant 0 : i32
    %dma_wait3A_201 = tpu.memref_slice %arg2[%dma_wait3A_199, %dma_wait3A_200] : memref<16x34xf32, #tpu.memory_space<vmem>> -> memref<1x34xf32, #tpu.memory_space<vmem>>
    %dma_wait3A_202 = arith.constant 0 : i32
    %dma_wait3A_203 = arith.constant 0 : i32
    %dma_wait3A_204 = tpu.memref_slice %arg1[%dma_wait3A_202, %dma_wait3A_203] : memref<1000000x34xf32, #tpu.memory_space<any>> -> memref<1x34xf32, #tpu.memory_space<any>>
    tpu.wait_dma2 semaphore(%arg3 : memref<!tpu.dma_semaphore, #tpu.memory_space<semaphore_mem>>) src(%dma_wait3A_204 : memref<1x34xf32, #tpu.memory_space<any>>) dst(%dma_wait3A_201 : memref<1x34xf32, #tpu.memory_space<vmem>>)
    return
  }
}

module attributes {stable_mosaic.version = 14 : i64} {
  func.func @_rescore_body(%arg0: memref<16x4xi32, #tpu.memory_space<smem>>, %arg1: memref<64x34xf32, #tpu.memory_space<vmem>>, %arg2: memref<1000000x34xf32, #tpu.memory_space<any>>, %arg3: memref<64x1xf32, #tpu.memory_space<vmem>>, %arg4: memref<64x34xf32, #tpu.memory_space<vmem>>, %arg5: memref<!tpu.dma_semaphore, #tpu.memory_space<semaphore_mem>>) attributes {dimension_semantics = [], scalar_prefetch = 0 : i64, scratch_operands = 2 : i64, tpu.core_type = #tpu.core_type<tc>} {
    %get3A = arith.constant 0 : index
    %get3A_0 = arith.constant 0 : index
    %get3A_1 = memref.load %arg0[%get3A, %get3A_0] : memref<16x4xi32, #tpu.memory_space<smem>>
    %dma_start3A = arith.constant 0 : i32
    %dma_start3A_2 = arith.constant 0 : i32
    %dma_start3A_3 = tpu.memref_slice %arg4[%dma_start3A, %dma_start3A_2] : memref<64x34xf32, #tpu.memory_space<vmem>> -> memref<1x34xf32, #tpu.memory_space<vmem>>
    %dma_start3A_4 = arith.constant 0 : i32
    %dma_start3A_5 = tpu.memref_slice %arg2[%get3A_1, %dma_start3A_4] : memref<1000000x34xf32, #tpu.memory_space<any>> -> memref<1x34xf32, #tpu.memory_space<any>>
    tpu.enqueue_dma source(%dma_start3A_5 : memref<1x34xf32, #tpu.memory_space<any>>) target(%dma_start3A_3 : memref<1x34xf32, #tpu.memory_space<vmem>>) target_semaphore(%arg5 : memref<!tpu.dma_semaphore, #tpu.memory_space<semaphore_mem>>)
    %get3A_6 = arith.constant 0 : index
    %get3A_7 = arith.constant 1 : index
    %get3A_8 = memref.load %arg0[%get3A_6, %get3A_7] : memref<16x4xi32, #tpu.memory_space<smem>>
    %dma_start3A_9 = arith.constant 1 : i32
    %dma_start3A_10 = arith.constant 0 : i32
    %dma_start3A_11 = tpu.memref_slice %arg4[%dma_start3A_9, %dma_start3A_10] : memref<64x34xf32, #tpu.memory_space<vmem>> -> memref<1x34xf32, #tpu.memory_space<vmem>>
    %dma_start3A_12 = arith.constant 0 : i32
    %dma_start3A_13 = tpu.memref_slice %arg2[%get3A_8, %dma_start3A_12] : memref<1000000x34xf32, #tpu.memory_space<any>> -> memref<1x34xf32, #tpu.memory_space<any>>
    tpu.enqueue_dma source(%dma_start3A_13 : memref<1x34xf32, #tpu.memory_space<any>>) target(%dma_start3A_11 : memref<1x34xf32, #tpu.memory_space<vmem>>) target_semaphore(%arg5 : memref<!tpu.dma_semaphore, #tpu.memory_space<semaphore_mem>>)
    %get3A_14 = arith.constant 0 : index
    %get3A_15 = arith.constant 2 : index
    %get3A_16 = memref.load %arg0[%get3A_14, %get3A_15] : memref<16x4xi32, #tpu.memory_space<smem>>
    %dma_start3A_17 = arith.constant 2 : i32
    %dma_start3A_18 = arith.constant 0 : i32
    %dma_start3A_19 = tpu.memref_slice %arg4[%dma_start3A_17, %dma_start3A_18] : memref<64x34xf32, #tpu.memory_space<vmem>> -> memref<1x34xf32, #tpu.memory_space<vmem>>
    %dma_start3A_20 = arith.constant 0 : i32
    %dma_start3A_21 = tpu.memref_slice %arg2[%get3A_16, %dma_start3A_20] : memref<1000000x34xf32, #tpu.memory_space<any>> -> memref<1x34xf32, #tpu.memory_space<any>>
    tpu.enqueue_dma source(%dma_start3A_21 : memref<1x34xf32, #tpu.memory_space<any>>) target(%dma_start3A_19 : memref<1x34xf32, #tpu.memory_space<vmem>>) target_semaphore(%arg5 : memref<!tpu.dma_semaphore, #tpu.memory_space<semaphore_mem>>)
    %get3A_22 = arith.constant 0 : index
    %get3A_23 = arith.constant 3 : index
    %get3A_24 = memref.load %arg0[%get3A_22, %get3A_23] : memref<16x4xi32, #tpu.memory_space<smem>>
    %dma_start3A_25 = arith.constant 3 : i32
    %dma_start3A_26 = arith.constant 0 : i32
    %dma_start3A_27 = tpu.memref_slice %arg4[%dma_start3A_25, %dma_start3A_26] : memref<64x34xf32, #tpu.memory_space<vmem>> -> memref<1x34xf32, #tpu.memory_space<vmem>>
    %dma_start3A_28 = arith.constant 0 : i32
    %dma_start3A_29 = tpu.memref_slice %arg2[%get3A_24, %dma_start3A_28] : memref<1000000x34xf32, #tpu.memory_space<any>> -> memref<1x34xf32, #tpu.memory_space<any>>
    tpu.enqueue_dma source(%dma_start3A_29 : memref<1x34xf32, #tpu.memory_space<any>>) target(%dma_start3A_27 : memref<1x34xf32, #tpu.memory_space<vmem>>) target_semaphore(%arg5 : memref<!tpu.dma_semaphore, #tpu.memory_space<semaphore_mem>>)
    %get3A_30 = arith.constant 1 : index
    %get3A_31 = arith.constant 0 : index
    %get3A_32 = memref.load %arg0[%get3A_30, %get3A_31] : memref<16x4xi32, #tpu.memory_space<smem>>
    %dma_start3A_33 = arith.constant 4 : i32
    %dma_start3A_34 = arith.constant 0 : i32
    %dma_start3A_35 = tpu.memref_slice %arg4[%dma_start3A_33, %dma_start3A_34] : memref<64x34xf32, #tpu.memory_space<vmem>> -> memref<1x34xf32, #tpu.memory_space<vmem>>
    %dma_start3A_36 = arith.constant 0 : i32
    %dma_start3A_37 = tpu.memref_slice %arg2[%get3A_32, %dma_start3A_36] : memref<1000000x34xf32, #tpu.memory_space<any>> -> memref<1x34xf32, #tpu.memory_space<any>>
    tpu.enqueue_dma source(%dma_start3A_37 : memref<1x34xf32, #tpu.memory_space<any>>) target(%dma_start3A_35 : memref<1x34xf32, #tpu.memory_space<vmem>>) target_semaphore(%arg5 : memref<!tpu.dma_semaphore, #tpu.memory_space<semaphore_mem>>)
    %get3A_38 = arith.constant 1 : index
    %get3A_39 = arith.constant 1 : index
    %get3A_40 = memref.load %arg0[%get3A_38, %get3A_39] : memref<16x4xi32, #tpu.memory_space<smem>>
    %dma_start3A_41 = arith.constant 5 : i32
    %dma_start3A_42 = arith.constant 0 : i32
    %dma_start3A_43 = tpu.memref_slice %arg4[%dma_start3A_41, %dma_start3A_42] : memref<64x34xf32, #tpu.memory_space<vmem>> -> memref<1x34xf32, #tpu.memory_space<vmem>>
    %dma_start3A_44 = arith.constant 0 : i32
    %dma_start3A_45 = tpu.memref_slice %arg2[%get3A_40, %dma_start3A_44] : memref<1000000x34xf32, #tpu.memory_space<any>> -> memref<1x34xf32, #tpu.memory_space<any>>
    tpu.enqueue_dma source(%dma_start3A_45 : memref<1x34xf32, #tpu.memory_space<any>>) target(%dma_start3A_43 : memref<1x34xf32, #tpu.memory_space<vmem>>) target_semaphore(%arg5 : memref<!tpu.dma_semaphore, #tpu.memory_space<semaphore_mem>>)
    %get3A_46 = arith.constant 1 : index
    %get3A_47 = arith.constant 2 : index
    %get3A_48 = memref.load %arg0[%get3A_46, %get3A_47] : memref<16x4xi32, #tpu.memory_space<smem>>
    %dma_start3A_49 = arith.constant 6 : i32
    %dma_start3A_50 = arith.constant 0 : i32
    %dma_start3A_51 = tpu.memref_slice %arg4[%dma_start3A_49, %dma_start3A_50] : memref<64x34xf32, #tpu.memory_space<vmem>> -> memref<1x34xf32, #tpu.memory_space<vmem>>
    %dma_start3A_52 = arith.constant 0 : i32
    %dma_start3A_53 = tpu.memref_slice %arg2[%get3A_48, %dma_start3A_52] : memref<1000000x34xf32, #tpu.memory_space<any>> -> memref<1x34xf32, #tpu.memory_space<any>>
    tpu.enqueue_dma source(%dma_start3A_53 : memref<1x34xf32, #tpu.memory_space<any>>) target(%dma_start3A_51 : memref<1x34xf32, #tpu.memory_space<vmem>>) target_semaphore(%arg5 : memref<!tpu.dma_semaphore, #tpu.memory_space<semaphore_mem>>)
    %get3A_54 = arith.constant 1 : index
    %get3A_55 = arith.constant 3 : index
    %get3A_56 = memref.load %arg0[%get3A_54, %get3A_55] : memref<16x4xi32, #tpu.memory_space<smem>>
    %dma_start3A_57 = arith.constant 7 : i32
    %dma_start3A_58 = arith.constant 0 : i32
    %dma_start3A_59 = tpu.memref_slice %arg4[%dma_start3A_57, %dma_start3A_58] : memref<64x34xf32, #tpu.memory_space<vmem>> -> memref<1x34xf32, #tpu.memory_space<vmem>>
    %dma_start3A_60 = arith.constant 0 : i32
    %dma_start3A_61 = tpu.memref_slice %arg2[%get3A_56, %dma_start3A_60] : memref<1000000x34xf32, #tpu.memory_space<any>> -> memref<1x34xf32, #tpu.memory_space<any>>
    tpu.enqueue_dma source(%dma_start3A_61 : memref<1x34xf32, #tpu.memory_space<any>>) target(%dma_start3A_59 : memref<1x34xf32, #tpu.memory_space<vmem>>) target_semaphore(%arg5 : memref<!tpu.dma_semaphore, #tpu.memory_space<semaphore_mem>>)
    %get3A_62 = arith.constant 2 : index
    %get3A_63 = arith.constant 0 : index
    %get3A_64 = memref.load %arg0[%get3A_62, %get3A_63] : memref<16x4xi32, #tpu.memory_space<smem>>
    %dma_start3A_65 = arith.constant 8 : i32
    %dma_start3A_66 = arith.constant 0 : i32
    %dma_start3A_67 = tpu.memref_slice %arg4[%dma_start3A_65, %dma_start3A_66] : memref<64x34xf32, #tpu.memory_space<vmem>> -> memref<1x34xf32, #tpu.memory_space<vmem>>
    %dma_start3A_68 = arith.constant 0 : i32
    %dma_start3A_69 = tpu.memref_slice %arg2[%get3A_64, %dma_start3A_68] : memref<1000000x34xf32, #tpu.memory_space<any>> -> memref<1x34xf32, #tpu.memory_space<any>>
    tpu.enqueue_dma source(%dma_start3A_69 : memref<1x34xf32, #tpu.memory_space<any>>) target(%dma_start3A_67 : memref<1x34xf32, #tpu.memory_space<vmem>>) target_semaphore(%arg5 : memref<!tpu.dma_semaphore, #tpu.memory_space<semaphore_mem>>)
    %get3A_70 = arith.constant 2 : index
    %get3A_71 = arith.constant 1 : index
    %get3A_72 = memref.load %arg0[%get3A_70, %get3A_71] : memref<16x4xi32, #tpu.memory_space<smem>>
    %dma_start3A_73 = arith.constant 9 : i32
    %dma_start3A_74 = arith.constant 0 : i32
    %dma_start3A_75 = tpu.memref_slice %arg4[%dma_start3A_73, %dma_start3A_74] : memref<64x34xf32, #tpu.memory_space<vmem>> -> memref<1x34xf32, #tpu.memory_space<vmem>>
    %dma_start3A_76 = arith.constant 0 : i32
    %dma_start3A_77 = tpu.memref_slice %arg2[%get3A_72, %dma_start3A_76] : memref<1000000x34xf32, #tpu.memory_space<any>> -> memref<1x34xf32, #tpu.memory_space<any>>
    tpu.enqueue_dma source(%dma_start3A_77 : memref<1x34xf32, #tpu.memory_space<any>>) target(%dma_start3A_75 : memref<1x34xf32, #tpu.memory_space<vmem>>) target_semaphore(%arg5 : memref<!tpu.dma_semaphore, #tpu.memory_space<semaphore_mem>>)
    %get3A_78 = arith.constant 2 : index
    %get3A_79 = arith.constant 2 : index
    %get3A_80 = memref.load %arg0[%get3A_78, %get3A_79] : memref<16x4xi32, #tpu.memory_space<smem>>
    %dma_start3A_81 = arith.constant 10 : i32
    %dma_start3A_82 = arith.constant 0 : i32
    %dma_start3A_83 = tpu.memref_slice %arg4[%dma_start3A_81, %dma_start3A_82] : memref<64x34xf32, #tpu.memory_space<vmem>> -> memref<1x34xf32, #tpu.memory_space<vmem>>
    %dma_start3A_84 = arith.constant 0 : i32
    %dma_start3A_85 = tpu.memref_slice %arg2[%get3A_80, %dma_start3A_84] : memref<1000000x34xf32, #tpu.memory_space<any>> -> memref<1x34xf32, #tpu.memory_space<any>>
    tpu.enqueue_dma source(%dma_start3A_85 : memref<1x34xf32, #tpu.memory_space<any>>) target(%dma_start3A_83 : memref<1x34xf32, #tpu.memory_space<vmem>>) target_semaphore(%arg5 : memref<!tpu.dma_semaphore, #tpu.memory_space<semaphore_mem>>)
    %get3A_86 = arith.constant 2 : index
    %get3A_87 = arith.constant 3 : index
    %get3A_88 = memref.load %arg0[%get3A_86, %get3A_87] : memref<16x4xi32, #tpu.memory_space<smem>>
    %dma_start3A_89 = arith.constant 11 : i32
    %dma_start3A_90 = arith.constant 0 : i32
    %dma_start3A_91 = tpu.memref_slice %arg4[%dma_start3A_89, %dma_start3A_90] : memref<64x34xf32, #tpu.memory_space<vmem>> -> memref<1x34xf32, #tpu.memory_space<vmem>>
    %dma_start3A_92 = arith.constant 0 : i32
    %dma_start3A_93 = tpu.memref_slice %arg2[%get3A_88, %dma_start3A_92] : memref<1000000x34xf32, #tpu.memory_space<any>> -> memref<1x34xf32, #tpu.memory_space<any>>
    tpu.enqueue_dma source(%dma_start3A_93 : memref<1x34xf32, #tpu.memory_space<any>>) target(%dma_start3A_91 : memref<1x34xf32, #tpu.memory_space<vmem>>) target_semaphore(%arg5 : memref<!tpu.dma_semaphore, #tpu.memory_space<semaphore_mem>>)
    %get3A_94 = arith.constant 3 : index
    %get3A_95 = arith.constant 0 : index
    %get3A_96 = memref.load %arg0[%get3A_94, %get3A_95] : memref<16x4xi32, #tpu.memory_space<smem>>
    %dma_start3A_97 = arith.constant 12 : i32
    %dma_start3A_98 = arith.constant 0 : i32
    %dma_start3A_99 = tpu.memref_slice %arg4[%dma_start3A_97, %dma_start3A_98] : memref<64x34xf32, #tpu.memory_space<vmem>> -> memref<1x34xf32, #tpu.memory_space<vmem>>
    %dma_start3A_100 = arith.constant 0 : i32
    %dma_start3A_101 = tpu.memref_slice %arg2[%get3A_96, %dma_start3A_100] : memref<1000000x34xf32, #tpu.memory_space<any>> -> memref<1x34xf32, #tpu.memory_space<any>>
    tpu.enqueue_dma source(%dma_start3A_101 : memref<1x34xf32, #tpu.memory_space<any>>) target(%dma_start3A_99 : memref<1x34xf32, #tpu.memory_space<vmem>>) target_semaphore(%arg5 : memref<!tpu.dma_semaphore, #tpu.memory_space<semaphore_mem>>)
    %get3A_102 = arith.constant 3 : index
    %get3A_103 = arith.constant 1 : index
    %get3A_104 = memref.load %arg0[%get3A_102, %get3A_103] : memref<16x4xi32, #tpu.memory_space<smem>>
    %dma_start3A_105 = arith.constant 13 : i32
    %dma_start3A_106 = arith.constant 0 : i32
    %dma_start3A_107 = tpu.memref_slice %arg4[%dma_start3A_105, %dma_start3A_106] : memref<64x34xf32, #tpu.memory_space<vmem>> -> memref<1x34xf32, #tpu.memory_space<vmem>>
    %dma_start3A_108 = arith.constant 0 : i32
    %dma_start3A_109 = tpu.memref_slice %arg2[%get3A_104, %dma_start3A_108] : memref<1000000x34xf32, #tpu.memory_space<any>> -> memref<1x34xf32, #tpu.memory_space<any>>
    tpu.enqueue_dma source(%dma_start3A_109 : memref<1x34xf32, #tpu.memory_space<any>>) target(%dma_start3A_107 : memref<1x34xf32, #tpu.memory_space<vmem>>) target_semaphore(%arg5 : memref<!tpu.dma_semaphore, #tpu.memory_space<semaphore_mem>>)
    %get3A_110 = arith.constant 3 : index
    %get3A_111 = arith.constant 2 : index
    %get3A_112 = memref.load %arg0[%get3A_110, %get3A_111] : memref<16x4xi32, #tpu.memory_space<smem>>
    %dma_start3A_113 = arith.constant 14 : i32
    %dma_start3A_114 = arith.constant 0 : i32
    %dma_start3A_115 = tpu.memref_slice %arg4[%dma_start3A_113, %dma_start3A_114] : memref<64x34xf32, #tpu.memory_space<vmem>> -> memref<1x34xf32, #tpu.memory_space<vmem>>
    %dma_start3A_116 = arith.constant 0 : i32
    %dma_start3A_117 = tpu.memref_slice %arg2[%get3A_112, %dma_start3A_116] : memref<1000000x34xf32, #tpu.memory_space<any>> -> memref<1x34xf32, #tpu.memory_space<any>>
    tpu.enqueue_dma source(%dma_start3A_117 : memref<1x34xf32, #tpu.memory_space<any>>) target(%dma_start3A_115 : memref<1x34xf32, #tpu.memory_space<vmem>>) target_semaphore(%arg5 : memref<!tpu.dma_semaphore, #tpu.memory_space<semaphore_mem>>)
    %get3A_118 = arith.constant 3 : index
    %get3A_119 = arith.constant 3 : index
    %get3A_120 = memref.load %arg0[%get3A_118, %get3A_119] : memref<16x4xi32, #tpu.memory_space<smem>>
    %dma_start3A_121 = arith.constant 15 : i32
    %dma_start3A_122 = arith.constant 0 : i32
    %dma_start3A_123 = tpu.memref_slice %arg4[%dma_start3A_121, %dma_start3A_122] : memref<64x34xf32, #tpu.memory_space<vmem>> -> memref<1x34xf32, #tpu.memory_space<vmem>>
    %dma_start3A_124 = arith.constant 0 : i32
    %dma_start3A_125 = tpu.memref_slice %arg2[%get3A_120, %dma_start3A_124] : memref<1000000x34xf32, #tpu.memory_space<any>> -> memref<1x34xf32, #tpu.memory_space<any>>
    tpu.enqueue_dma source(%dma_start3A_125 : memref<1x34xf32, #tpu.memory_space<any>>) target(%dma_start3A_123 : memref<1x34xf32, #tpu.memory_space<vmem>>) target_semaphore(%arg5 : memref<!tpu.dma_semaphore, #tpu.memory_space<semaphore_mem>>)
    %get3A_126 = arith.constant 4 : index
    %get3A_127 = arith.constant 0 : index
    %get3A_128 = memref.load %arg0[%get3A_126, %get3A_127] : memref<16x4xi32, #tpu.memory_space<smem>>
    %dma_start3A_129 = arith.constant 16 : i32
    %dma_start3A_130 = arith.constant 0 : i32
    %dma_start3A_131 = tpu.memref_slice %arg4[%dma_start3A_129, %dma_start3A_130] : memref<64x34xf32, #tpu.memory_space<vmem>> -> memref<1x34xf32, #tpu.memory_space<vmem>>
    %dma_start3A_132 = arith.constant 0 : i32
    %dma_start3A_133 = tpu.memref_slice %arg2[%get3A_128, %dma_start3A_132] : memref<1000000x34xf32, #tpu.memory_space<any>> -> memref<1x34xf32, #tpu.memory_space<any>>
    tpu.enqueue_dma source(%dma_start3A_133 : memref<1x34xf32, #tpu.memory_space<any>>) target(%dma_start3A_131 : memref<1x34xf32, #tpu.memory_space<vmem>>) target_semaphore(%arg5 : memref<!tpu.dma_semaphore, #tpu.memory_space<semaphore_mem>>)
    %get3A_134 = arith.constant 4 : index
    %get3A_135 = arith.constant 1 : index
    %get3A_136 = memref.load %arg0[%get3A_134, %get3A_135] : memref<16x4xi32, #tpu.memory_space<smem>>
    %dma_start3A_137 = arith.constant 17 : i32
    %dma_start3A_138 = arith.constant 0 : i32
    %dma_start3A_139 = tpu.memref_slice %arg4[%dma_start3A_137, %dma_start3A_138] : memref<64x34xf32, #tpu.memory_space<vmem>> -> memref<1x34xf32, #tpu.memory_space<vmem>>
    %dma_start3A_140 = arith.constant 0 : i32
    %dma_start3A_141 = tpu.memref_slice %arg2[%get3A_136, %dma_start3A_140] : memref<1000000x34xf32, #tpu.memory_space<any>> -> memref<1x34xf32, #tpu.memory_space<any>>
    tpu.enqueue_dma source(%dma_start3A_141 : memref<1x34xf32, #tpu.memory_space<any>>) target(%dma_start3A_139 : memref<1x34xf32, #tpu.memory_space<vmem>>) target_semaphore(%arg5 : memref<!tpu.dma_semaphore, #tpu.memory_space<semaphore_mem>>)
    %get3A_142 = arith.constant 4 : index
    %get3A_143 = arith.constant 2 : index
    %get3A_144 = memref.load %arg0[%get3A_142, %get3A_143] : memref<16x4xi32, #tpu.memory_space<smem>>
    %dma_start3A_145 = arith.constant 18 : i32
    %dma_start3A_146 = arith.constant 0 : i32
    %dma_start3A_147 = tpu.memref_slice %arg4[%dma_start3A_145, %dma_start3A_146] : memref<64x34xf32, #tpu.memory_space<vmem>> -> memref<1x34xf32, #tpu.memory_space<vmem>>
    %dma_start3A_148 = arith.constant 0 : i32
    %dma_start3A_149 = tpu.memref_slice %arg2[%get3A_144, %dma_start3A_148] : memref<1000000x34xf32, #tpu.memory_space<any>> -> memref<1x34xf32, #tpu.memory_space<any>>
    tpu.enqueue_dma source(%dma_start3A_149 : memref<1x34xf32, #tpu.memory_space<any>>) target(%dma_start3A_147 : memref<1x34xf32, #tpu.memory_space<vmem>>) target_semaphore(%arg5 : memref<!tpu.dma_semaphore, #tpu.memory_space<semaphore_mem>>)
    %get3A_150 = arith.constant 4 : index
    %get3A_151 = arith.constant 3 : index
    %get3A_152 = memref.load %arg0[%get3A_150, %get3A_151] : memref<16x4xi32, #tpu.memory_space<smem>>
    %dma_start3A_153 = arith.constant 19 : i32
    %dma_start3A_154 = arith.constant 0 : i32
    %dma_start3A_155 = tpu.memref_slice %arg4[%dma_start3A_153, %dma_start3A_154] : memref<64x34xf32, #tpu.memory_space<vmem>> -> memref<1x34xf32, #tpu.memory_space<vmem>>
    %dma_start3A_156 = arith.constant 0 : i32
    %dma_start3A_157 = tpu.memref_slice %arg2[%get3A_152, %dma_start3A_156] : memref<1000000x34xf32, #tpu.memory_space<any>> -> memref<1x34xf32, #tpu.memory_space<any>>
    tpu.enqueue_dma source(%dma_start3A_157 : memref<1x34xf32, #tpu.memory_space<any>>) target(%dma_start3A_155 : memref<1x34xf32, #tpu.memory_space<vmem>>) target_semaphore(%arg5 : memref<!tpu.dma_semaphore, #tpu.memory_space<semaphore_mem>>)
    %get3A_158 = arith.constant 5 : index
    %get3A_159 = arith.constant 0 : index
    %get3A_160 = memref.load %arg0[%get3A_158, %get3A_159] : memref<16x4xi32, #tpu.memory_space<smem>>
    %dma_start3A_161 = arith.constant 20 : i32
    %dma_start3A_162 = arith.constant 0 : i32
    %dma_start3A_163 = tpu.memref_slice %arg4[%dma_start3A_161, %dma_start3A_162] : memref<64x34xf32, #tpu.memory_space<vmem>> -> memref<1x34xf32, #tpu.memory_space<vmem>>
    %dma_start3A_164 = arith.constant 0 : i32
    %dma_start3A_165 = tpu.memref_slice %arg2[%get3A_160, %dma_start3A_164] : memref<1000000x34xf32, #tpu.memory_space<any>> -> memref<1x34xf32, #tpu.memory_space<any>>
    tpu.enqueue_dma source(%dma_start3A_165 : memref<1x34xf32, #tpu.memory_space<any>>) target(%dma_start3A_163 : memref<1x34xf32, #tpu.memory_space<vmem>>) target_semaphore(%arg5 : memref<!tpu.dma_semaphore, #tpu.memory_space<semaphore_mem>>)
    %get3A_166 = arith.constant 5 : index
    %get3A_167 = arith.constant 1 : index
    %get3A_168 = memref.load %arg0[%get3A_166, %get3A_167] : memref<16x4xi32, #tpu.memory_space<smem>>
    %dma_start3A_169 = arith.constant 21 : i32
    %dma_start3A_170 = arith.constant 0 : i32
    %dma_start3A_171 = tpu.memref_slice %arg4[%dma_start3A_169, %dma_start3A_170] : memref<64x34xf32, #tpu.memory_space<vmem>> -> memref<1x34xf32, #tpu.memory_space<vmem>>
    %dma_start3A_172 = arith.constant 0 : i32
    %dma_start3A_173 = tpu.memref_slice %arg2[%get3A_168, %dma_start3A_172] : memref<1000000x34xf32, #tpu.memory_space<any>> -> memref<1x34xf32, #tpu.memory_space<any>>
    tpu.enqueue_dma source(%dma_start3A_173 : memref<1x34xf32, #tpu.memory_space<any>>) target(%dma_start3A_171 : memref<1x34xf32, #tpu.memory_space<vmem>>) target_semaphore(%arg5 : memref<!tpu.dma_semaphore, #tpu.memory_space<semaphore_mem>>)
    %get3A_174 = arith.constant 5 : index
    %get3A_175 = arith.constant 2 : index
    %get3A_176 = memref.load %arg0[%get3A_174, %get3A_175] : memref<16x4xi32, #tpu.memory_space<smem>>
    %dma_start3A_177 = arith.constant 22 : i32
    %dma_start3A_178 = arith.constant 0 : i32
    %dma_start3A_179 = tpu.memref_slice %arg4[%dma_start3A_177, %dma_start3A_178] : memref<64x34xf32, #tpu.memory_space<vmem>> -> memref<1x34xf32, #tpu.memory_space<vmem>>
    %dma_start3A_180 = arith.constant 0 : i32
    %dma_start3A_181 = tpu.memref_slice %arg2[%get3A_176, %dma_start3A_180] : memref<1000000x34xf32, #tpu.memory_space<any>> -> memref<1x34xf32, #tpu.memory_space<any>>
    tpu.enqueue_dma source(%dma_start3A_181 : memref<1x34xf32, #tpu.memory_space<any>>) target(%dma_start3A_179 : memref<1x34xf32, #tpu.memory_space<vmem>>) target_semaphore(%arg5 : memref<!tpu.dma_semaphore, #tpu.memory_space<semaphore_mem>>)
    %get3A_182 = arith.constant 5 : index
    %get3A_183 = arith.constant 3 : index
    %get3A_184 = memref.load %arg0[%get3A_182, %get3A_183] : memref<16x4xi32, #tpu.memory_space<smem>>
    %dma_start3A_185 = arith.constant 23 : i32
    %dma_start3A_186 = arith.constant 0 : i32
    %dma_start3A_187 = tpu.memref_slice %arg4[%dma_start3A_185, %dma_start3A_186] : memref<64x34xf32, #tpu.memory_space<vmem>> -> memref<1x34xf32, #tpu.memory_space<vmem>>
    %dma_start3A_188 = arith.constant 0 : i32
    %dma_start3A_189 = tpu.memref_slice %arg2[%get3A_184, %dma_start3A_188] : memref<1000000x34xf32, #tpu.memory_space<any>> -> memref<1x34xf32, #tpu.memory_space<any>>
    tpu.enqueue_dma source(%dma_start3A_189 : memref<1x34xf32, #tpu.memory_space<any>>) target(%dma_start3A_187 : memref<1x34xf32, #tpu.memory_space<vmem>>) target_semaphore(%arg5 : memref<!tpu.dma_semaphore, #tpu.memory_space<semaphore_mem>>)
    %get3A_190 = arith.constant 6 : index
    %get3A_191 = arith.constant 0 : index
    %get3A_192 = memref.load %arg0[%get3A_190, %get3A_191] : memref<16x4xi32, #tpu.memory_space<smem>>
    %dma_start3A_193 = arith.constant 24 : i32
    %dma_start3A_194 = arith.constant 0 : i32
    %dma_start3A_195 = tpu.memref_slice %arg4[%dma_start3A_193, %dma_start3A_194] : memref<64x34xf32, #tpu.memory_space<vmem>> -> memref<1x34xf32, #tpu.memory_space<vmem>>
    %dma_start3A_196 = arith.constant 0 : i32
    %dma_start3A_197 = tpu.memref_slice %arg2[%get3A_192, %dma_start3A_196] : memref<1000000x34xf32, #tpu.memory_space<any>> -> memref<1x34xf32, #tpu.memory_space<any>>
    tpu.enqueue_dma source(%dma_start3A_197 : memref<1x34xf32, #tpu.memory_space<any>>) target(%dma_start3A_195 : memref<1x34xf32, #tpu.memory_space<vmem>>) target_semaphore(%arg5 : memref<!tpu.dma_semaphore, #tpu.memory_space<semaphore_mem>>)
    %get3A_198 = arith.constant 6 : index
    %get3A_199 = arith.constant 1 : index
    %get3A_200 = memref.load %arg0[%get3A_198, %get3A_199] : memref<16x4xi32, #tpu.memory_space<smem>>
    %dma_start3A_201 = arith.constant 25 : i32
    %dma_start3A_202 = arith.constant 0 : i32
    %dma_start3A_203 = tpu.memref_slice %arg4[%dma_start3A_201, %dma_start3A_202] : memref<64x34xf32, #tpu.memory_space<vmem>> -> memref<1x34xf32, #tpu.memory_space<vmem>>
    %dma_start3A_204 = arith.constant 0 : i32
    %dma_start3A_205 = tpu.memref_slice %arg2[%get3A_200, %dma_start3A_204] : memref<1000000x34xf32, #tpu.memory_space<any>> -> memref<1x34xf32, #tpu.memory_space<any>>
    tpu.enqueue_dma source(%dma_start3A_205 : memref<1x34xf32, #tpu.memory_space<any>>) target(%dma_start3A_203 : memref<1x34xf32, #tpu.memory_space<vmem>>) target_semaphore(%arg5 : memref<!tpu.dma_semaphore, #tpu.memory_space<semaphore_mem>>)
    %get3A_206 = arith.constant 6 : index
    %get3A_207 = arith.constant 2 : index
    %get3A_208 = memref.load %arg0[%get3A_206, %get3A_207] : memref<16x4xi32, #tpu.memory_space<smem>>
    %dma_start3A_209 = arith.constant 26 : i32
    %dma_start3A_210 = arith.constant 0 : i32
    %dma_start3A_211 = tpu.memref_slice %arg4[%dma_start3A_209, %dma_start3A_210] : memref<64x34xf32, #tpu.memory_space<vmem>> -> memref<1x34xf32, #tpu.memory_space<vmem>>
    %dma_start3A_212 = arith.constant 0 : i32
    %dma_start3A_213 = tpu.memref_slice %arg2[%get3A_208, %dma_start3A_212] : memref<1000000x34xf32, #tpu.memory_space<any>> -> memref<1x34xf32, #tpu.memory_space<any>>
    tpu.enqueue_dma source(%dma_start3A_213 : memref<1x34xf32, #tpu.memory_space<any>>) target(%dma_start3A_211 : memref<1x34xf32, #tpu.memory_space<vmem>>) target_semaphore(%arg5 : memref<!tpu.dma_semaphore, #tpu.memory_space<semaphore_mem>>)
    %get3A_214 = arith.constant 6 : index
    %get3A_215 = arith.constant 3 : index
    %get3A_216 = memref.load %arg0[%get3A_214, %get3A_215] : memref<16x4xi32, #tpu.memory_space<smem>>
    %dma_start3A_217 = arith.constant 27 : i32
    %dma_start3A_218 = arith.constant 0 : i32
    %dma_start3A_219 = tpu.memref_slice %arg4[%dma_start3A_217, %dma_start3A_218] : memref<64x34xf32, #tpu.memory_space<vmem>> -> memref<1x34xf32, #tpu.memory_space<vmem>>
    %dma_start3A_220 = arith.constant 0 : i32
    %dma_start3A_221 = tpu.memref_slice %arg2[%get3A_216, %dma_start3A_220] : memref<1000000x34xf32, #tpu.memory_space<any>> -> memref<1x34xf32, #tpu.memory_space<any>>
    tpu.enqueue_dma source(%dma_start3A_221 : memref<1x34xf32, #tpu.memory_space<any>>) target(%dma_start3A_219 : memref<1x34xf32, #tpu.memory_space<vmem>>) target_semaphore(%arg5 : memref<!tpu.dma_semaphore, #tpu.memory_space<semaphore_mem>>)
    %get3A_222 = arith.constant 7 : index
    %get3A_223 = arith.constant 0 : index
    %get3A_224 = memref.load %arg0[%get3A_222, %get3A_223] : memref<16x4xi32, #tpu.memory_space<smem>>
    %dma_start3A_225 = arith.constant 28 : i32
    %dma_start3A_226 = arith.constant 0 : i32
    %dma_start3A_227 = tpu.memref_slice %arg4[%dma_start3A_225, %dma_start3A_226] : memref<64x34xf32, #tpu.memory_space<vmem>> -> memref<1x34xf32, #tpu.memory_space<vmem>>
    %dma_start3A_228 = arith.constant 0 : i32
    %dma_start3A_229 = tpu.memref_slice %arg2[%get3A_224, %dma_start3A_228] : memref<1000000x34xf32, #tpu.memory_space<any>> -> memref<1x34xf32, #tpu.memory_space<any>>
    tpu.enqueue_dma source(%dma_start3A_229 : memref<1x34xf32, #tpu.memory_space<any>>) target(%dma_start3A_227 : memref<1x34xf32, #tpu.memory_space<vmem>>) target_semaphore(%arg5 : memref<!tpu.dma_semaphore, #tpu.memory_space<semaphore_mem>>)
    %get3A_230 = arith.constant 7 : index
    %get3A_231 = arith.constant 1 : index
    %get3A_232 = memref.load %arg0[%get3A_230, %get3A_231] : memref<16x4xi32, #tpu.memory_space<smem>>
    %dma_start3A_233 = arith.constant 29 : i32
    %dma_start3A_234 = arith.constant 0 : i32
    %dma_start3A_235 = tpu.memref_slice %arg4[%dma_start3A_233, %dma_start3A_234] : memref<64x34xf32, #tpu.memory_space<vmem>> -> memref<1x34xf32, #tpu.memory_space<vmem>>
    %dma_start3A_236 = arith.constant 0 : i32
    %dma_start3A_237 = tpu.memref_slice %arg2[%get3A_232, %dma_start3A_236] : memref<1000000x34xf32, #tpu.memory_space<any>> -> memref<1x34xf32, #tpu.memory_space<any>>
    tpu.enqueue_dma source(%dma_start3A_237 : memref<1x34xf32, #tpu.memory_space<any>>) target(%dma_start3A_235 : memref<1x34xf32, #tpu.memory_space<vmem>>) target_semaphore(%arg5 : memref<!tpu.dma_semaphore, #tpu.memory_space<semaphore_mem>>)
    %get3A_238 = arith.constant 7 : index
    %get3A_239 = arith.constant 2 : index
    %get3A_240 = memref.load %arg0[%get3A_238, %get3A_239] : memref<16x4xi32, #tpu.memory_space<smem>>
    %dma_start3A_241 = arith.constant 30 : i32
    %dma_start3A_242 = arith.constant 0 : i32
    %dma_start3A_243 = tpu.memref_slice %arg4[%dma_start3A_241, %dma_start3A_242] : memref<64x34xf32, #tpu.memory_space<vmem>> -> memref<1x34xf32, #tpu.memory_space<vmem>>
    %dma_start3A_244 = arith.constant 0 : i32
    %dma_start3A_245 = tpu.memref_slice %arg2[%get3A_240, %dma_start3A_244] : memref<1000000x34xf32, #tpu.memory_space<any>> -> memref<1x34xf32, #tpu.memory_space<any>>
    tpu.enqueue_dma source(%dma_start3A_245 : memref<1x34xf32, #tpu.memory_space<any>>) target(%dma_start3A_243 : memref<1x34xf32, #tpu.memory_space<vmem>>) target_semaphore(%arg5 : memref<!tpu.dma_semaphore, #tpu.memory_space<semaphore_mem>>)
    %get3A_246 = arith.constant 7 : index
    %get3A_247 = arith.constant 3 : index
    %get3A_248 = memref.load %arg0[%get3A_246, %get3A_247] : memref<16x4xi32, #tpu.memory_space<smem>>
    %dma_start3A_249 = arith.constant 31 : i32
    %dma_start3A_250 = arith.constant 0 : i32
    %dma_start3A_251 = tpu.memref_slice %arg4[%dma_start3A_249, %dma_start3A_250] : memref<64x34xf32, #tpu.memory_space<vmem>> -> memref<1x34xf32, #tpu.memory_space<vmem>>
    %dma_start3A_252 = arith.constant 0 : i32
    %dma_start3A_253 = tpu.memref_slice %arg2[%get3A_248, %dma_start3A_252] : memref<1000000x34xf32, #tpu.memory_space<any>> -> memref<1x34xf32, #tpu.memory_space<any>>
    tpu.enqueue_dma source(%dma_start3A_253 : memref<1x34xf32, #tpu.memory_space<any>>) target(%dma_start3A_251 : memref<1x34xf32, #tpu.memory_space<vmem>>) target_semaphore(%arg5 : memref<!tpu.dma_semaphore, #tpu.memory_space<semaphore_mem>>)
    %get3A_254 = arith.constant 8 : index
    %get3A_255 = arith.constant 0 : index
    %get3A_256 = memref.load %arg0[%get3A_254, %get3A_255] : memref<16x4xi32, #tpu.memory_space<smem>>
    %dma_start3A_257 = arith.constant 32 : i32
    %dma_start3A_258 = arith.constant 0 : i32
    %dma_start3A_259 = tpu.memref_slice %arg4[%dma_start3A_257, %dma_start3A_258] : memref<64x34xf32, #tpu.memory_space<vmem>> -> memref<1x34xf32, #tpu.memory_space<vmem>>
    %dma_start3A_260 = arith.constant 0 : i32
    %dma_start3A_261 = tpu.memref_slice %arg2[%get3A_256, %dma_start3A_260] : memref<1000000x34xf32, #tpu.memory_space<any>> -> memref<1x34xf32, #tpu.memory_space<any>>
    tpu.enqueue_dma source(%dma_start3A_261 : memref<1x34xf32, #tpu.memory_space<any>>) target(%dma_start3A_259 : memref<1x34xf32, #tpu.memory_space<vmem>>) target_semaphore(%arg5 : memref<!tpu.dma_semaphore, #tpu.memory_space<semaphore_mem>>)
    %get3A_262 = arith.constant 8 : index
    %get3A_263 = arith.constant 1 : index
    %get3A_264 = memref.load %arg0[%get3A_262, %get3A_263] : memref<16x4xi32, #tpu.memory_space<smem>>
    %dma_start3A_265 = arith.constant 33 : i32
    %dma_start3A_266 = arith.constant 0 : i32
    %dma_start3A_267 = tpu.memref_slice %arg4[%dma_start3A_265, %dma_start3A_266] : memref<64x34xf32, #tpu.memory_space<vmem>> -> memref<1x34xf32, #tpu.memory_space<vmem>>
    %dma_start3A_268 = arith.constant 0 : i32
    %dma_start3A_269 = tpu.memref_slice %arg2[%get3A_264, %dma_start3A_268] : memref<1000000x34xf32, #tpu.memory_space<any>> -> memref<1x34xf32, #tpu.memory_space<any>>
    tpu.enqueue_dma source(%dma_start3A_269 : memref<1x34xf32, #tpu.memory_space<any>>) target(%dma_start3A_267 : memref<1x34xf32, #tpu.memory_space<vmem>>) target_semaphore(%arg5 : memref<!tpu.dma_semaphore, #tpu.memory_space<semaphore_mem>>)
    %get3A_270 = arith.constant 8 : index
    %get3A_271 = arith.constant 2 : index
    %get3A_272 = memref.load %arg0[%get3A_270, %get3A_271] : memref<16x4xi32, #tpu.memory_space<smem>>
    %dma_start3A_273 = arith.constant 34 : i32
    %dma_start3A_274 = arith.constant 0 : i32
    %dma_start3A_275 = tpu.memref_slice %arg4[%dma_start3A_273, %dma_start3A_274] : memref<64x34xf32, #tpu.memory_space<vmem>> -> memref<1x34xf32, #tpu.memory_space<vmem>>
    %dma_start3A_276 = arith.constant 0 : i32
    %dma_start3A_277 = tpu.memref_slice %arg2[%get3A_272, %dma_start3A_276] : memref<1000000x34xf32, #tpu.memory_space<any>> -> memref<1x34xf32, #tpu.memory_space<any>>
    tpu.enqueue_dma source(%dma_start3A_277 : memref<1x34xf32, #tpu.memory_space<any>>) target(%dma_start3A_275 : memref<1x34xf32, #tpu.memory_space<vmem>>) target_semaphore(%arg5 : memref<!tpu.dma_semaphore, #tpu.memory_space<semaphore_mem>>)
    %get3A_278 = arith.constant 8 : index
    %get3A_279 = arith.constant 3 : index
    %get3A_280 = memref.load %arg0[%get3A_278, %get3A_279] : memref<16x4xi32, #tpu.memory_space<smem>>
    %dma_start3A_281 = arith.constant 35 : i32
    %dma_start3A_282 = arith.constant 0 : i32
    %dma_start3A_283 = tpu.memref_slice %arg4[%dma_start3A_281, %dma_start3A_282] : memref<64x34xf32, #tpu.memory_space<vmem>> -> memref<1x34xf32, #tpu.memory_space<vmem>>
    %dma_start3A_284 = arith.constant 0 : i32
    %dma_start3A_285 = tpu.memref_slice %arg2[%get3A_280, %dma_start3A_284] : memref<1000000x34xf32, #tpu.memory_space<any>> -> memref<1x34xf32, #tpu.memory_space<any>>
    tpu.enqueue_dma source(%dma_start3A_285 : memref<1x34xf32, #tpu.memory_space<any>>) target(%dma_start3A_283 : memref<1x34xf32, #tpu.memory_space<vmem>>) target_semaphore(%arg5 : memref<!tpu.dma_semaphore, #tpu.memory_space<semaphore_mem>>)
    %get3A_286 = arith.constant 9 : index
    %get3A_287 = arith.constant 0 : index
    %get3A_288 = memref.load %arg0[%get3A_286, %get3A_287] : memref<16x4xi32, #tpu.memory_space<smem>>
    %dma_start3A_289 = arith.constant 36 : i32
    %dma_start3A_290 = arith.constant 0 : i32
    %dma_start3A_291 = tpu.memref_slice %arg4[%dma_start3A_289, %dma_start3A_290] : memref<64x34xf32, #tpu.memory_space<vmem>> -> memref<1x34xf32, #tpu.memory_space<vmem>>
    %dma_start3A_292 = arith.constant 0 : i32
    %dma_start3A_293 = tpu.memref_slice %arg2[%get3A_288, %dma_start3A_292] : memref<1000000x34xf32, #tpu.memory_space<any>> -> memref<1x34xf32, #tpu.memory_space<any>>
    tpu.enqueue_dma source(%dma_start3A_293 : memref<1x34xf32, #tpu.memory_space<any>>) target(%dma_start3A_291 : memref<1x34xf32, #tpu.memory_space<vmem>>) target_semaphore(%arg5 : memref<!tpu.dma_semaphore, #tpu.memory_space<semaphore_mem>>)
    %get3A_294 = arith.constant 9 : index
    %get3A_295 = arith.constant 1 : index
    %get3A_296 = memref.load %arg0[%get3A_294, %get3A_295] : memref<16x4xi32, #tpu.memory_space<smem>>
    %dma_start3A_297 = arith.constant 37 : i32
    %dma_start3A_298 = arith.constant 0 : i32
    %dma_start3A_299 = tpu.memref_slice %arg4[%dma_start3A_297, %dma_start3A_298] : memref<64x34xf32, #tpu.memory_space<vmem>> -> memref<1x34xf32, #tpu.memory_space<vmem>>
    %dma_start3A_300 = arith.constant 0 : i32
    %dma_start3A_301 = tpu.memref_slice %arg2[%get3A_296, %dma_start3A_300] : memref<1000000x34xf32, #tpu.memory_space<any>> -> memref<1x34xf32, #tpu.memory_space<any>>
    tpu.enqueue_dma source(%dma_start3A_301 : memref<1x34xf32, #tpu.memory_space<any>>) target(%dma_start3A_299 : memref<1x34xf32, #tpu.memory_space<vmem>>) target_semaphore(%arg5 : memref<!tpu.dma_semaphore, #tpu.memory_space<semaphore_mem>>)
    %get3A_302 = arith.constant 9 : index
    %get3A_303 = arith.constant 2 : index
    %get3A_304 = memref.load %arg0[%get3A_302, %get3A_303] : memref<16x4xi32, #tpu.memory_space<smem>>
    %dma_start3A_305 = arith.constant 38 : i32
    %dma_start3A_306 = arith.constant 0 : i32
    %dma_start3A_307 = tpu.memref_slice %arg4[%dma_start3A_305, %dma_start3A_306] : memref<64x34xf32, #tpu.memory_space<vmem>> -> memref<1x34xf32, #tpu.memory_space<vmem>>
    %dma_start3A_308 = arith.constant 0 : i32
    %dma_start3A_309 = tpu.memref_slice %arg2[%get3A_304, %dma_start3A_308] : memref<1000000x34xf32, #tpu.memory_space<any>> -> memref<1x34xf32, #tpu.memory_space<any>>
    tpu.enqueue_dma source(%dma_start3A_309 : memref<1x34xf32, #tpu.memory_space<any>>) target(%dma_start3A_307 : memref<1x34xf32, #tpu.memory_space<vmem>>) target_semaphore(%arg5 : memref<!tpu.dma_semaphore, #tpu.memory_space<semaphore_mem>>)
    %get3A_310 = arith.constant 9 : index
    %get3A_311 = arith.constant 3 : index
    %get3A_312 = memref.load %arg0[%get3A_310, %get3A_311] : memref<16x4xi32, #tpu.memory_space<smem>>
    %dma_start3A_313 = arith.constant 39 : i32
    %dma_start3A_314 = arith.constant 0 : i32
    %dma_start3A_315 = tpu.memref_slice %arg4[%dma_start3A_313, %dma_start3A_314] : memref<64x34xf32, #tpu.memory_space<vmem>> -> memref<1x34xf32, #tpu.memory_space<vmem>>
    %dma_start3A_316 = arith.constant 0 : i32
    %dma_start3A_317 = tpu.memref_slice %arg2[%get3A_312, %dma_start3A_316] : memref<1000000x34xf32, #tpu.memory_space<any>> -> memref<1x34xf32, #tpu.memory_space<any>>
    tpu.enqueue_dma source(%dma_start3A_317 : memref<1x34xf32, #tpu.memory_space<any>>) target(%dma_start3A_315 : memref<1x34xf32, #tpu.memory_space<vmem>>) target_semaphore(%arg5 : memref<!tpu.dma_semaphore, #tpu.memory_space<semaphore_mem>>)
    %get3A_318 = arith.constant 10 : index
    %get3A_319 = arith.constant 0 : index
    %get3A_320 = memref.load %arg0[%get3A_318, %get3A_319] : memref<16x4xi32, #tpu.memory_space<smem>>
    %dma_start3A_321 = arith.constant 40 : i32
    %dma_start3A_322 = arith.constant 0 : i32
    %dma_start3A_323 = tpu.memref_slice %arg4[%dma_start3A_321, %dma_start3A_322] : memref<64x34xf32, #tpu.memory_space<vmem>> -> memref<1x34xf32, #tpu.memory_space<vmem>>
    %dma_start3A_324 = arith.constant 0 : i32
    %dma_start3A_325 = tpu.memref_slice %arg2[%get3A_320, %dma_start3A_324] : memref<1000000x34xf32, #tpu.memory_space<any>> -> memref<1x34xf32, #tpu.memory_space<any>>
    tpu.enqueue_dma source(%dma_start3A_325 : memref<1x34xf32, #tpu.memory_space<any>>) target(%dma_start3A_323 : memref<1x34xf32, #tpu.memory_space<vmem>>) target_semaphore(%arg5 : memref<!tpu.dma_semaphore, #tpu.memory_space<semaphore_mem>>)
    %get3A_326 = arith.constant 10 : index
    %get3A_327 = arith.constant 1 : index
    %get3A_328 = memref.load %arg0[%get3A_326, %get3A_327] : memref<16x4xi32, #tpu.memory_space<smem>>
    %dma_start3A_329 = arith.constant 41 : i32
    %dma_start3A_330 = arith.constant 0 : i32
    %dma_start3A_331 = tpu.memref_slice %arg4[%dma_start3A_329, %dma_start3A_330] : memref<64x34xf32, #tpu.memory_space<vmem>> -> memref<1x34xf32, #tpu.memory_space<vmem>>
    %dma_start3A_332 = arith.constant 0 : i32
    %dma_start3A_333 = tpu.memref_slice %arg2[%get3A_328, %dma_start3A_332] : memref<1000000x34xf32, #tpu.memory_space<any>> -> memref<1x34xf32, #tpu.memory_space<any>>
    tpu.enqueue_dma source(%dma_start3A_333 : memref<1x34xf32, #tpu.memory_space<any>>) target(%dma_start3A_331 : memref<1x34xf32, #tpu.memory_space<vmem>>) target_semaphore(%arg5 : memref<!tpu.dma_semaphore, #tpu.memory_space<semaphore_mem>>)
    %get3A_334 = arith.constant 10 : index
    %get3A_335 = arith.constant 2 : index
    %get3A_336 = memref.load %arg0[%get3A_334, %get3A_335] : memref<16x4xi32, #tpu.memory_space<smem>>
    %dma_start3A_337 = arith.constant 42 : i32
    %dma_start3A_338 = arith.constant 0 : i32
    %dma_start3A_339 = tpu.memref_slice %arg4[%dma_start3A_337, %dma_start3A_338] : memref<64x34xf32, #tpu.memory_space<vmem>> -> memref<1x34xf32, #tpu.memory_space<vmem>>
    %dma_start3A_340 = arith.constant 0 : i32
    %dma_start3A_341 = tpu.memref_slice %arg2[%get3A_336, %dma_start3A_340] : memref<1000000x34xf32, #tpu.memory_space<any>> -> memref<1x34xf32, #tpu.memory_space<any>>
    tpu.enqueue_dma source(%dma_start3A_341 : memref<1x34xf32, #tpu.memory_space<any>>) target(%dma_start3A_339 : memref<1x34xf32, #tpu.memory_space<vmem>>) target_semaphore(%arg5 : memref<!tpu.dma_semaphore, #tpu.memory_space<semaphore_mem>>)
    %get3A_342 = arith.constant 10 : index
    %get3A_343 = arith.constant 3 : index
    %get3A_344 = memref.load %arg0[%get3A_342, %get3A_343] : memref<16x4xi32, #tpu.memory_space<smem>>
    %dma_start3A_345 = arith.constant 43 : i32
    %dma_start3A_346 = arith.constant 0 : i32
    %dma_start3A_347 = tpu.memref_slice %arg4[%dma_start3A_345, %dma_start3A_346] : memref<64x34xf32, #tpu.memory_space<vmem>> -> memref<1x34xf32, #tpu.memory_space<vmem>>
    %dma_start3A_348 = arith.constant 0 : i32
    %dma_start3A_349 = tpu.memref_slice %arg2[%get3A_344, %dma_start3A_348] : memref<1000000x34xf32, #tpu.memory_space<any>> -> memref<1x34xf32, #tpu.memory_space<any>>
    tpu.enqueue_dma source(%dma_start3A_349 : memref<1x34xf32, #tpu.memory_space<any>>) target(%dma_start3A_347 : memref<1x34xf32, #tpu.memory_space<vmem>>) target_semaphore(%arg5 : memref<!tpu.dma_semaphore, #tpu.memory_space<semaphore_mem>>)
    %get3A_350 = arith.constant 11 : index
    %get3A_351 = arith.constant 0 : index
    %get3A_352 = memref.load %arg0[%get3A_350, %get3A_351] : memref<16x4xi32, #tpu.memory_space<smem>>
    %dma_start3A_353 = arith.constant 44 : i32
    %dma_start3A_354 = arith.constant 0 : i32
    %dma_start3A_355 = tpu.memref_slice %arg4[%dma_start3A_353, %dma_start3A_354] : memref<64x34xf32, #tpu.memory_space<vmem>> -> memref<1x34xf32, #tpu.memory_space<vmem>>
    %dma_start3A_356 = arith.constant 0 : i32
    %dma_start3A_357 = tpu.memref_slice %arg2[%get3A_352, %dma_start3A_356] : memref<1000000x34xf32, #tpu.memory_space<any>> -> memref<1x34xf32, #tpu.memory_space<any>>
    tpu.enqueue_dma source(%dma_start3A_357 : memref<1x34xf32, #tpu.memory_space<any>>) target(%dma_start3A_355 : memref<1x34xf32, #tpu.memory_space<vmem>>) target_semaphore(%arg5 : memref<!tpu.dma_semaphore, #tpu.memory_space<semaphore_mem>>)
    %get3A_358 = arith.constant 11 : index
    %get3A_359 = arith.constant 1 : index
    %get3A_360 = memref.load %arg0[%get3A_358, %get3A_359] : memref<16x4xi32, #tpu.memory_space<smem>>
    %dma_start3A_361 = arith.constant 45 : i32
    %dma_start3A_362 = arith.constant 0 : i32
    %dma_start3A_363 = tpu.memref_slice %arg4[%dma_start3A_361, %dma_start3A_362] : memref<64x34xf32, #tpu.memory_space<vmem>> -> memref<1x34xf32, #tpu.memory_space<vmem>>
    %dma_start3A_364 = arith.constant 0 : i32
    %dma_start3A_365 = tpu.memref_slice %arg2[%get3A_360, %dma_start3A_364] : memref<1000000x34xf32, #tpu.memory_space<any>> -> memref<1x34xf32, #tpu.memory_space<any>>
    tpu.enqueue_dma source(%dma_start3A_365 : memref<1x34xf32, #tpu.memory_space<any>>) target(%dma_start3A_363 : memref<1x34xf32, #tpu.memory_space<vmem>>) target_semaphore(%arg5 : memref<!tpu.dma_semaphore, #tpu.memory_space<semaphore_mem>>)
    %get3A_366 = arith.constant 11 : index
    %get3A_367 = arith.constant 2 : index
    %get3A_368 = memref.load %arg0[%get3A_366, %get3A_367] : memref<16x4xi32, #tpu.memory_space<smem>>
    %dma_start3A_369 = arith.constant 46 : i32
    %dma_start3A_370 = arith.constant 0 : i32
    %dma_start3A_371 = tpu.memref_slice %arg4[%dma_start3A_369, %dma_start3A_370] : memref<64x34xf32, #tpu.memory_space<vmem>> -> memref<1x34xf32, #tpu.memory_space<vmem>>
    %dma_start3A_372 = arith.constant 0 : i32
    %dma_start3A_373 = tpu.memref_slice %arg2[%get3A_368, %dma_start3A_372] : memref<1000000x34xf32, #tpu.memory_space<any>> -> memref<1x34xf32, #tpu.memory_space<any>>
    tpu.enqueue_dma source(%dma_start3A_373 : memref<1x34xf32, #tpu.memory_space<any>>) target(%dma_start3A_371 : memref<1x34xf32, #tpu.memory_space<vmem>>) target_semaphore(%arg5 : memref<!tpu.dma_semaphore, #tpu.memory_space<semaphore_mem>>)
    %get3A_374 = arith.constant 11 : index
    %get3A_375 = arith.constant 3 : index
    %get3A_376 = memref.load %arg0[%get3A_374, %get3A_375] : memref<16x4xi32, #tpu.memory_space<smem>>
    %dma_start3A_377 = arith.constant 47 : i32
    %dma_start3A_378 = arith.constant 0 : i32
    %dma_start3A_379 = tpu.memref_slice %arg4[%dma_start3A_377, %dma_start3A_378] : memref<64x34xf32, #tpu.memory_space<vmem>> -> memref<1x34xf32, #tpu.memory_space<vmem>>
    %dma_start3A_380 = arith.constant 0 : i32
    %dma_start3A_381 = tpu.memref_slice %arg2[%get3A_376, %dma_start3A_380] : memref<1000000x34xf32, #tpu.memory_space<any>> -> memref<1x34xf32, #tpu.memory_space<any>>
    tpu.enqueue_dma source(%dma_start3A_381 : memref<1x34xf32, #tpu.memory_space<any>>) target(%dma_start3A_379 : memref<1x34xf32, #tpu.memory_space<vmem>>) target_semaphore(%arg5 : memref<!tpu.dma_semaphore, #tpu.memory_space<semaphore_mem>>)
    %get3A_382 = arith.constant 12 : index
    %get3A_383 = arith.constant 0 : index
    %get3A_384 = memref.load %arg0[%get3A_382, %get3A_383] : memref<16x4xi32, #tpu.memory_space<smem>>
    %dma_start3A_385 = arith.constant 48 : i32
    %dma_start3A_386 = arith.constant 0 : i32
    %dma_start3A_387 = tpu.memref_slice %arg4[%dma_start3A_385, %dma_start3A_386] : memref<64x34xf32, #tpu.memory_space<vmem>> -> memref<1x34xf32, #tpu.memory_space<vmem>>
    %dma_start3A_388 = arith.constant 0 : i32
    %dma_start3A_389 = tpu.memref_slice %arg2[%get3A_384, %dma_start3A_388] : memref<1000000x34xf32, #tpu.memory_space<any>> -> memref<1x34xf32, #tpu.memory_space<any>>
    tpu.enqueue_dma source(%dma_start3A_389 : memref<1x34xf32, #tpu.memory_space<any>>) target(%dma_start3A_387 : memref<1x34xf32, #tpu.memory_space<vmem>>) target_semaphore(%arg5 : memref<!tpu.dma_semaphore, #tpu.memory_space<semaphore_mem>>)
    %get3A_390 = arith.constant 12 : index
    %get3A_391 = arith.constant 1 : index
    %get3A_392 = memref.load %arg0[%get3A_390, %get3A_391] : memref<16x4xi32, #tpu.memory_space<smem>>
    %dma_start3A_393 = arith.constant 49 : i32
    %dma_start3A_394 = arith.constant 0 : i32
    %dma_start3A_395 = tpu.memref_slice %arg4[%dma_start3A_393, %dma_start3A_394] : memref<64x34xf32, #tpu.memory_space<vmem>> -> memref<1x34xf32, #tpu.memory_space<vmem>>
    %dma_start3A_396 = arith.constant 0 : i32
    %dma_start3A_397 = tpu.memref_slice %arg2[%get3A_392, %dma_start3A_396] : memref<1000000x34xf32, #tpu.memory_space<any>> -> memref<1x34xf32, #tpu.memory_space<any>>
    tpu.enqueue_dma source(%dma_start3A_397 : memref<1x34xf32, #tpu.memory_space<any>>) target(%dma_start3A_395 : memref<1x34xf32, #tpu.memory_space<vmem>>) target_semaphore(%arg5 : memref<!tpu.dma_semaphore, #tpu.memory_space<semaphore_mem>>)
    %get3A_398 = arith.constant 12 : index
    %get3A_399 = arith.constant 2 : index
    %get3A_400 = memref.load %arg0[%get3A_398, %get3A_399] : memref<16x4xi32, #tpu.memory_space<smem>>
    %dma_start3A_401 = arith.constant 50 : i32
    %dma_start3A_402 = arith.constant 0 : i32
    %dma_start3A_403 = tpu.memref_slice %arg4[%dma_start3A_401, %dma_start3A_402] : memref<64x34xf32, #tpu.memory_space<vmem>> -> memref<1x34xf32, #tpu.memory_space<vmem>>
    %dma_start3A_404 = arith.constant 0 : i32
    %dma_start3A_405 = tpu.memref_slice %arg2[%get3A_400, %dma_start3A_404] : memref<1000000x34xf32, #tpu.memory_space<any>> -> memref<1x34xf32, #tpu.memory_space<any>>
    tpu.enqueue_dma source(%dma_start3A_405 : memref<1x34xf32, #tpu.memory_space<any>>) target(%dma_start3A_403 : memref<1x34xf32, #tpu.memory_space<vmem>>) target_semaphore(%arg5 : memref<!tpu.dma_semaphore, #tpu.memory_space<semaphore_mem>>)
    %get3A_406 = arith.constant 12 : index
    %get3A_407 = arith.constant 3 : index
    %get3A_408 = memref.load %arg0[%get3A_406, %get3A_407] : memref<16x4xi32, #tpu.memory_space<smem>>
    %dma_start3A_409 = arith.constant 51 : i32
    %dma_start3A_410 = arith.constant 0 : i32
    %dma_start3A_411 = tpu.memref_slice %arg4[%dma_start3A_409, %dma_start3A_410] : memref<64x34xf32, #tpu.memory_space<vmem>> -> memref<1x34xf32, #tpu.memory_space<vmem>>
    %dma_start3A_412 = arith.constant 0 : i32
    %dma_start3A_413 = tpu.memref_slice %arg2[%get3A_408, %dma_start3A_412] : memref<1000000x34xf32, #tpu.memory_space<any>> -> memref<1x34xf32, #tpu.memory_space<any>>
    tpu.enqueue_dma source(%dma_start3A_413 : memref<1x34xf32, #tpu.memory_space<any>>) target(%dma_start3A_411 : memref<1x34xf32, #tpu.memory_space<vmem>>) target_semaphore(%arg5 : memref<!tpu.dma_semaphore, #tpu.memory_space<semaphore_mem>>)
    %get3A_414 = arith.constant 13 : index
    %get3A_415 = arith.constant 0 : index
    %get3A_416 = memref.load %arg0[%get3A_414, %get3A_415] : memref<16x4xi32, #tpu.memory_space<smem>>
    %dma_start3A_417 = arith.constant 52 : i32
    %dma_start3A_418 = arith.constant 0 : i32
    %dma_start3A_419 = tpu.memref_slice %arg4[%dma_start3A_417, %dma_start3A_418] : memref<64x34xf32, #tpu.memory_space<vmem>> -> memref<1x34xf32, #tpu.memory_space<vmem>>
    %dma_start3A_420 = arith.constant 0 : i32
    %dma_start3A_421 = tpu.memref_slice %arg2[%get3A_416, %dma_start3A_420] : memref<1000000x34xf32, #tpu.memory_space<any>> -> memref<1x34xf32, #tpu.memory_space<any>>
    tpu.enqueue_dma source(%dma_start3A_421 : memref<1x34xf32, #tpu.memory_space<any>>) target(%dma_start3A_419 : memref<1x34xf32, #tpu.memory_space<vmem>>) target_semaphore(%arg5 : memref<!tpu.dma_semaphore, #tpu.memory_space<semaphore_mem>>)
    %get3A_422 = arith.constant 13 : index
    %get3A_423 = arith.constant 1 : index
    %get3A_424 = memref.load %arg0[%get3A_422, %get3A_423] : memref<16x4xi32, #tpu.memory_space<smem>>
    %dma_start3A_425 = arith.constant 53 : i32
    %dma_start3A_426 = arith.constant 0 : i32
    %dma_start3A_427 = tpu.memref_slice %arg4[%dma_start3A_425, %dma_start3A_426] : memref<64x34xf32, #tpu.memory_space<vmem>> -> memref<1x34xf32, #tpu.memory_space<vmem>>
    %dma_start3A_428 = arith.constant 0 : i32
    %dma_start3A_429 = tpu.memref_slice %arg2[%get3A_424, %dma_start3A_428] : memref<1000000x34xf32, #tpu.memory_space<any>> -> memref<1x34xf32, #tpu.memory_space<any>>
    tpu.enqueue_dma source(%dma_start3A_429 : memref<1x34xf32, #tpu.memory_space<any>>) target(%dma_start3A_427 : memref<1x34xf32, #tpu.memory_space<vmem>>) target_semaphore(%arg5 : memref<!tpu.dma_semaphore, #tpu.memory_space<semaphore_mem>>)
    %get3A_430 = arith.constant 13 : index
    %get3A_431 = arith.constant 2 : index
    %get3A_432 = memref.load %arg0[%get3A_430, %get3A_431] : memref<16x4xi32, #tpu.memory_space<smem>>
    %dma_start3A_433 = arith.constant 54 : i32
    %dma_start3A_434 = arith.constant 0 : i32
    %dma_start3A_435 = tpu.memref_slice %arg4[%dma_start3A_433, %dma_start3A_434] : memref<64x34xf32, #tpu.memory_space<vmem>> -> memref<1x34xf32, #tpu.memory_space<vmem>>
    %dma_start3A_436 = arith.constant 0 : i32
    %dma_start3A_437 = tpu.memref_slice %arg2[%get3A_432, %dma_start3A_436] : memref<1000000x34xf32, #tpu.memory_space<any>> -> memref<1x34xf32, #tpu.memory_space<any>>
    tpu.enqueue_dma source(%dma_start3A_437 : memref<1x34xf32, #tpu.memory_space<any>>) target(%dma_start3A_435 : memref<1x34xf32, #tpu.memory_space<vmem>>) target_semaphore(%arg5 : memref<!tpu.dma_semaphore, #tpu.memory_space<semaphore_mem>>)
    %get3A_438 = arith.constant 13 : index
    %get3A_439 = arith.constant 3 : index
    %get3A_440 = memref.load %arg0[%get3A_438, %get3A_439] : memref<16x4xi32, #tpu.memory_space<smem>>
    %dma_start3A_441 = arith.constant 55 : i32
    %dma_start3A_442 = arith.constant 0 : i32
    %dma_start3A_443 = tpu.memref_slice %arg4[%dma_start3A_441, %dma_start3A_442] : memref<64x34xf32, #tpu.memory_space<vmem>> -> memref<1x34xf32, #tpu.memory_space<vmem>>
    %dma_start3A_444 = arith.constant 0 : i32
    %dma_start3A_445 = tpu.memref_slice %arg2[%get3A_440, %dma_start3A_444] : memref<1000000x34xf32, #tpu.memory_space<any>> -> memref<1x34xf32, #tpu.memory_space<any>>
    tpu.enqueue_dma source(%dma_start3A_445 : memref<1x34xf32, #tpu.memory_space<any>>) target(%dma_start3A_443 : memref<1x34xf32, #tpu.memory_space<vmem>>) target_semaphore(%arg5 : memref<!tpu.dma_semaphore, #tpu.memory_space<semaphore_mem>>)
    %get3A_446 = arith.constant 14 : index
    %get3A_447 = arith.constant 0 : index
    %get3A_448 = memref.load %arg0[%get3A_446, %get3A_447] : memref<16x4xi32, #tpu.memory_space<smem>>
    %dma_start3A_449 = arith.constant 56 : i32
    %dma_start3A_450 = arith.constant 0 : i32
    %dma_start3A_451 = tpu.memref_slice %arg4[%dma_start3A_449, %dma_start3A_450] : memref<64x34xf32, #tpu.memory_space<vmem>> -> memref<1x34xf32, #tpu.memory_space<vmem>>
    %dma_start3A_452 = arith.constant 0 : i32
    %dma_start3A_453 = tpu.memref_slice %arg2[%get3A_448, %dma_start3A_452] : memref<1000000x34xf32, #tpu.memory_space<any>> -> memref<1x34xf32, #tpu.memory_space<any>>
    tpu.enqueue_dma source(%dma_start3A_453 : memref<1x34xf32, #tpu.memory_space<any>>) target(%dma_start3A_451 : memref<1x34xf32, #tpu.memory_space<vmem>>) target_semaphore(%arg5 : memref<!tpu.dma_semaphore, #tpu.memory_space<semaphore_mem>>)
    %get3A_454 = arith.constant 14 : index
    %get3A_455 = arith.constant 1 : index
    %get3A_456 = memref.load %arg0[%get3A_454, %get3A_455] : memref<16x4xi32, #tpu.memory_space<smem>>
    %dma_start3A_457 = arith.constant 57 : i32
    %dma_start3A_458 = arith.constant 0 : i32
    %dma_start3A_459 = tpu.memref_slice %arg4[%dma_start3A_457, %dma_start3A_458] : memref<64x34xf32, #tpu.memory_space<vmem>> -> memref<1x34xf32, #tpu.memory_space<vmem>>
    %dma_start3A_460 = arith.constant 0 : i32
    %dma_start3A_461 = tpu.memref_slice %arg2[%get3A_456, %dma_start3A_460] : memref<1000000x34xf32, #tpu.memory_space<any>> -> memref<1x34xf32, #tpu.memory_space<any>>
    tpu.enqueue_dma source(%dma_start3A_461 : memref<1x34xf32, #tpu.memory_space<any>>) target(%dma_start3A_459 : memref<1x34xf32, #tpu.memory_space<vmem>>) target_semaphore(%arg5 : memref<!tpu.dma_semaphore, #tpu.memory_space<semaphore_mem>>)
    %get3A_462 = arith.constant 14 : index
    %get3A_463 = arith.constant 2 : index
    %get3A_464 = memref.load %arg0[%get3A_462, %get3A_463] : memref<16x4xi32, #tpu.memory_space<smem>>
    %dma_start3A_465 = arith.constant 58 : i32
    %dma_start3A_466 = arith.constant 0 : i32
    %dma_start3A_467 = tpu.memref_slice %arg4[%dma_start3A_465, %dma_start3A_466] : memref<64x34xf32, #tpu.memory_space<vmem>> -> memref<1x34xf32, #tpu.memory_space<vmem>>
    %dma_start3A_468 = arith.constant 0 : i32
    %dma_start3A_469 = tpu.memref_slice %arg2[%get3A_464, %dma_start3A_468] : memref<1000000x34xf32, #tpu.memory_space<any>> -> memref<1x34xf32, #tpu.memory_space<any>>
    tpu.enqueue_dma source(%dma_start3A_469 : memref<1x34xf32, #tpu.memory_space<any>>) target(%dma_start3A_467 : memref<1x34xf32, #tpu.memory_space<vmem>>) target_semaphore(%arg5 : memref<!tpu.dma_semaphore, #tpu.memory_space<semaphore_mem>>)
    %get3A_470 = arith.constant 14 : index
    %get3A_471 = arith.constant 3 : index
    %get3A_472 = memref.load %arg0[%get3A_470, %get3A_471] : memref<16x4xi32, #tpu.memory_space<smem>>
    %dma_start3A_473 = arith.constant 59 : i32
    %dma_start3A_474 = arith.constant 0 : i32
    %dma_start3A_475 = tpu.memref_slice %arg4[%dma_start3A_473, %dma_start3A_474] : memref<64x34xf32, #tpu.memory_space<vmem>> -> memref<1x34xf32, #tpu.memory_space<vmem>>
    %dma_start3A_476 = arith.constant 0 : i32
    %dma_start3A_477 = tpu.memref_slice %arg2[%get3A_472, %dma_start3A_476] : memref<1000000x34xf32, #tpu.memory_space<any>> -> memref<1x34xf32, #tpu.memory_space<any>>
    tpu.enqueue_dma source(%dma_start3A_477 : memref<1x34xf32, #tpu.memory_space<any>>) target(%dma_start3A_475 : memref<1x34xf32, #tpu.memory_space<vmem>>) target_semaphore(%arg5 : memref<!tpu.dma_semaphore, #tpu.memory_space<semaphore_mem>>)
    %get3A_478 = arith.constant 15 : index
    %get3A_479 = arith.constant 0 : index
    %get3A_480 = memref.load %arg0[%get3A_478, %get3A_479] : memref<16x4xi32, #tpu.memory_space<smem>>
    %dma_start3A_481 = arith.constant 60 : i32
    %dma_start3A_482 = arith.constant 0 : i32
    %dma_start3A_483 = tpu.memref_slice %arg4[%dma_start3A_481, %dma_start3A_482] : memref<64x34xf32, #tpu.memory_space<vmem>> -> memref<1x34xf32, #tpu.memory_space<vmem>>
    %dma_start3A_484 = arith.constant 0 : i32
    %dma_start3A_485 = tpu.memref_slice %arg2[%get3A_480, %dma_start3A_484] : memref<1000000x34xf32, #tpu.memory_space<any>> -> memref<1x34xf32, #tpu.memory_space<any>>
    tpu.enqueue_dma source(%dma_start3A_485 : memref<1x34xf32, #tpu.memory_space<any>>) target(%dma_start3A_483 : memref<1x34xf32, #tpu.memory_space<vmem>>) target_semaphore(%arg5 : memref<!tpu.dma_semaphore, #tpu.memory_space<semaphore_mem>>)
    %get3A_486 = arith.constant 15 : index
    %get3A_487 = arith.constant 1 : index
    %get3A_488 = memref.load %arg0[%get3A_486, %get3A_487] : memref<16x4xi32, #tpu.memory_space<smem>>
    %dma_start3A_489 = arith.constant 61 : i32
    %dma_start3A_490 = arith.constant 0 : i32
    %dma_start3A_491 = tpu.memref_slice %arg4[%dma_start3A_489, %dma_start3A_490] : memref<64x34xf32, #tpu.memory_space<vmem>> -> memref<1x34xf32, #tpu.memory_space<vmem>>
    %dma_start3A_492 = arith.constant 0 : i32
    %dma_start3A_493 = tpu.memref_slice %arg2[%get3A_488, %dma_start3A_492] : memref<1000000x34xf32, #tpu.memory_space<any>> -> memref<1x34xf32, #tpu.memory_space<any>>
    tpu.enqueue_dma source(%dma_start3A_493 : memref<1x34xf32, #tpu.memory_space<any>>) target(%dma_start3A_491 : memref<1x34xf32, #tpu.memory_space<vmem>>) target_semaphore(%arg5 : memref<!tpu.dma_semaphore, #tpu.memory_space<semaphore_mem>>)
    %get3A_494 = arith.constant 15 : index
    %get3A_495 = arith.constant 2 : index
    %get3A_496 = memref.load %arg0[%get3A_494, %get3A_495] : memref<16x4xi32, #tpu.memory_space<smem>>
    %dma_start3A_497 = arith.constant 62 : i32
    %dma_start3A_498 = arith.constant 0 : i32
    %dma_start3A_499 = tpu.memref_slice %arg4[%dma_start3A_497, %dma_start3A_498] : memref<64x34xf32, #tpu.memory_space<vmem>> -> memref<1x34xf32, #tpu.memory_space<vmem>>
    %dma_start3A_500 = arith.constant 0 : i32
    %dma_start3A_501 = tpu.memref_slice %arg2[%get3A_496, %dma_start3A_500] : memref<1000000x34xf32, #tpu.memory_space<any>> -> memref<1x34xf32, #tpu.memory_space<any>>
    tpu.enqueue_dma source(%dma_start3A_501 : memref<1x34xf32, #tpu.memory_space<any>>) target(%dma_start3A_499 : memref<1x34xf32, #tpu.memory_space<vmem>>) target_semaphore(%arg5 : memref<!tpu.dma_semaphore, #tpu.memory_space<semaphore_mem>>)
    %get3A_502 = arith.constant 15 : index
    %get3A_503 = arith.constant 3 : index
    %get3A_504 = memref.load %arg0[%get3A_502, %get3A_503] : memref<16x4xi32, #tpu.memory_space<smem>>
    %dma_start3A_505 = arith.constant 63 : i32
    %dma_start3A_506 = arith.constant 0 : i32
    %dma_start3A_507 = tpu.memref_slice %arg4[%dma_start3A_505, %dma_start3A_506] : memref<64x34xf32, #tpu.memory_space<vmem>> -> memref<1x34xf32, #tpu.memory_space<vmem>>
    %dma_start3A_508 = arith.constant 0 : i32
    %dma_start3A_509 = tpu.memref_slice %arg2[%get3A_504, %dma_start3A_508] : memref<1000000x34xf32, #tpu.memory_space<any>> -> memref<1x34xf32, #tpu.memory_space<any>>
    tpu.enqueue_dma source(%dma_start3A_509 : memref<1x34xf32, #tpu.memory_space<any>>) target(%dma_start3A_507 : memref<1x34xf32, #tpu.memory_space<vmem>>) target_semaphore(%arg5 : memref<!tpu.dma_semaphore, #tpu.memory_space<semaphore_mem>>)
    %dma_wait3A = arith.constant 0 : i32
    %dma_wait3A_510 = arith.constant 0 : i32
    %dma_wait3A_511 = tpu.memref_slice %arg4[%dma_wait3A, %dma_wait3A_510] : memref<64x34xf32, #tpu.memory_space<vmem>> -> memref<1x34xf32, #tpu.memory_space<vmem>>
    %dma_wait3A_512 = arith.constant 0 : i32
    %dma_wait3A_513 = arith.constant 0 : i32
    %dma_wait3A_514 = tpu.memref_slice %arg2[%dma_wait3A_512, %dma_wait3A_513] : memref<1000000x34xf32, #tpu.memory_space<any>> -> memref<1x34xf32, #tpu.memory_space<any>>
    tpu.wait_dma2 semaphore(%arg5 : memref<!tpu.dma_semaphore, #tpu.memory_space<semaphore_mem>>) src(%dma_wait3A_514 : memref<1x34xf32, #tpu.memory_space<any>>) dst(%dma_wait3A_511 : memref<1x34xf32, #tpu.memory_space<vmem>>)
    %dma_wait3A_515 = arith.constant 1 : i32
    %dma_wait3A_516 = arith.constant 0 : i32
    %dma_wait3A_517 = tpu.memref_slice %arg4[%dma_wait3A_515, %dma_wait3A_516] : memref<64x34xf32, #tpu.memory_space<vmem>> -> memref<1x34xf32, #tpu.memory_space<vmem>>
    %dma_wait3A_518 = arith.constant 0 : i32
    %dma_wait3A_519 = arith.constant 0 : i32
    %dma_wait3A_520 = tpu.memref_slice %arg2[%dma_wait3A_518, %dma_wait3A_519] : memref<1000000x34xf32, #tpu.memory_space<any>> -> memref<1x34xf32, #tpu.memory_space<any>>
    tpu.wait_dma2 semaphore(%arg5 : memref<!tpu.dma_semaphore, #tpu.memory_space<semaphore_mem>>) src(%dma_wait3A_520 : memref<1x34xf32, #tpu.memory_space<any>>) dst(%dma_wait3A_517 : memref<1x34xf32, #tpu.memory_space<vmem>>)
    %dma_wait3A_521 = arith.constant 2 : i32
    %dma_wait3A_522 = arith.constant 0 : i32
    %dma_wait3A_523 = tpu.memref_slice %arg4[%dma_wait3A_521, %dma_wait3A_522] : memref<64x34xf32, #tpu.memory_space<vmem>> -> memref<1x34xf32, #tpu.memory_space<vmem>>
    %dma_wait3A_524 = arith.constant 0 : i32
    %dma_wait3A_525 = arith.constant 0 : i32
    %dma_wait3A_526 = tpu.memref_slice %arg2[%dma_wait3A_524, %dma_wait3A_525] : memref<1000000x34xf32, #tpu.memory_space<any>> -> memref<1x34xf32, #tpu.memory_space<any>>
    tpu.wait_dma2 semaphore(%arg5 : memref<!tpu.dma_semaphore, #tpu.memory_space<semaphore_mem>>) src(%dma_wait3A_526 : memref<1x34xf32, #tpu.memory_space<any>>) dst(%dma_wait3A_523 : memref<1x34xf32, #tpu.memory_space<vmem>>)
    %dma_wait3A_527 = arith.constant 3 : i32
    %dma_wait3A_528 = arith.constant 0 : i32
    %dma_wait3A_529 = tpu.memref_slice %arg4[%dma_wait3A_527, %dma_wait3A_528] : memref<64x34xf32, #tpu.memory_space<vmem>> -> memref<1x34xf32, #tpu.memory_space<vmem>>
    %dma_wait3A_530 = arith.constant 0 : i32
    %dma_wait3A_531 = arith.constant 0 : i32
    %dma_wait3A_532 = tpu.memref_slice %arg2[%dma_wait3A_530, %dma_wait3A_531] : memref<1000000x34xf32, #tpu.memory_space<any>> -> memref<1x34xf32, #tpu.memory_space<any>>
    tpu.wait_dma2 semaphore(%arg5 : memref<!tpu.dma_semaphore, #tpu.memory_space<semaphore_mem>>) src(%dma_wait3A_532 : memref<1x34xf32, #tpu.memory_space<any>>) dst(%dma_wait3A_529 : memref<1x34xf32, #tpu.memory_space<vmem>>)
    %dma_wait3A_533 = arith.constant 4 : i32
    %dma_wait3A_534 = arith.constant 0 : i32
    %dma_wait3A_535 = tpu.memref_slice %arg4[%dma_wait3A_533, %dma_wait3A_534] : memref<64x34xf32, #tpu.memory_space<vmem>> -> memref<1x34xf32, #tpu.memory_space<vmem>>
    %dma_wait3A_536 = arith.constant 0 : i32
    %dma_wait3A_537 = arith.constant 0 : i32
    %dma_wait3A_538 = tpu.memref_slice %arg2[%dma_wait3A_536, %dma_wait3A_537] : memref<1000000x34xf32, #tpu.memory_space<any>> -> memref<1x34xf32, #tpu.memory_space<any>>
    tpu.wait_dma2 semaphore(%arg5 : memref<!tpu.dma_semaphore, #tpu.memory_space<semaphore_mem>>) src(%dma_wait3A_538 : memref<1x34xf32, #tpu.memory_space<any>>) dst(%dma_wait3A_535 : memref<1x34xf32, #tpu.memory_space<vmem>>)
    %dma_wait3A_539 = arith.constant 5 : i32
    %dma_wait3A_540 = arith.constant 0 : i32
    %dma_wait3A_541 = tpu.memref_slice %arg4[%dma_wait3A_539, %dma_wait3A_540] : memref<64x34xf32, #tpu.memory_space<vmem>> -> memref<1x34xf32, #tpu.memory_space<vmem>>
    %dma_wait3A_542 = arith.constant 0 : i32
    %dma_wait3A_543 = arith.constant 0 : i32
    %dma_wait3A_544 = tpu.memref_slice %arg2[%dma_wait3A_542, %dma_wait3A_543] : memref<1000000x34xf32, #tpu.memory_space<any>> -> memref<1x34xf32, #tpu.memory_space<any>>
    tpu.wait_dma2 semaphore(%arg5 : memref<!tpu.dma_semaphore, #tpu.memory_space<semaphore_mem>>) src(%dma_wait3A_544 : memref<1x34xf32, #tpu.memory_space<any>>) dst(%dma_wait3A_541 : memref<1x34xf32, #tpu.memory_space<vmem>>)
    %dma_wait3A_545 = arith.constant 6 : i32
    %dma_wait3A_546 = arith.constant 0 : i32
    %dma_wait3A_547 = tpu.memref_slice %arg4[%dma_wait3A_545, %dma_wait3A_546] : memref<64x34xf32, #tpu.memory_space<vmem>> -> memref<1x34xf32, #tpu.memory_space<vmem>>
    %dma_wait3A_548 = arith.constant 0 : i32
    %dma_wait3A_549 = arith.constant 0 : i32
    %dma_wait3A_550 = tpu.memref_slice %arg2[%dma_wait3A_548, %dma_wait3A_549] : memref<1000000x34xf32, #tpu.memory_space<any>> -> memref<1x34xf32, #tpu.memory_space<any>>
    tpu.wait_dma2 semaphore(%arg5 : memref<!tpu.dma_semaphore, #tpu.memory_space<semaphore_mem>>) src(%dma_wait3A_550 : memref<1x34xf32, #tpu.memory_space<any>>) dst(%dma_wait3A_547 : memref<1x34xf32, #tpu.memory_space<vmem>>)
    %dma_wait3A_551 = arith.constant 7 : i32
    %dma_wait3A_552 = arith.constant 0 : i32
    %dma_wait3A_553 = tpu.memref_slice %arg4[%dma_wait3A_551, %dma_wait3A_552] : memref<64x34xf32, #tpu.memory_space<vmem>> -> memref<1x34xf32, #tpu.memory_space<vmem>>
    %dma_wait3A_554 = arith.constant 0 : i32
    %dma_wait3A_555 = arith.constant 0 : i32
    %dma_wait3A_556 = tpu.memref_slice %arg2[%dma_wait3A_554, %dma_wait3A_555] : memref<1000000x34xf32, #tpu.memory_space<any>> -> memref<1x34xf32, #tpu.memory_space<any>>
    tpu.wait_dma2 semaphore(%arg5 : memref<!tpu.dma_semaphore, #tpu.memory_space<semaphore_mem>>) src(%dma_wait3A_556 : memref<1x34xf32, #tpu.memory_space<any>>) dst(%dma_wait3A_553 : memref<1x34xf32, #tpu.memory_space<vmem>>)
    %dma_wait3A_557 = arith.constant 8 : i32
    %dma_wait3A_558 = arith.constant 0 : i32
    %dma_wait3A_559 = tpu.memref_slice %arg4[%dma_wait3A_557, %dma_wait3A_558] : memref<64x34xf32, #tpu.memory_space<vmem>> -> memref<1x34xf32, #tpu.memory_space<vmem>>
    %dma_wait3A_560 = arith.constant 0 : i32
    %dma_wait3A_561 = arith.constant 0 : i32
    %dma_wait3A_562 = tpu.memref_slice %arg2[%dma_wait3A_560, %dma_wait3A_561] : memref<1000000x34xf32, #tpu.memory_space<any>> -> memref<1x34xf32, #tpu.memory_space<any>>
    tpu.wait_dma2 semaphore(%arg5 : memref<!tpu.dma_semaphore, #tpu.memory_space<semaphore_mem>>) src(%dma_wait3A_562 : memref<1x34xf32, #tpu.memory_space<any>>) dst(%dma_wait3A_559 : memref<1x34xf32, #tpu.memory_space<vmem>>)
    %dma_wait3A_563 = arith.constant 9 : i32
    %dma_wait3A_564 = arith.constant 0 : i32
    %dma_wait3A_565 = tpu.memref_slice %arg4[%dma_wait3A_563, %dma_wait3A_564] : memref<64x34xf32, #tpu.memory_space<vmem>> -> memref<1x34xf32, #tpu.memory_space<vmem>>
    %dma_wait3A_566 = arith.constant 0 : i32
    %dma_wait3A_567 = arith.constant 0 : i32
    %dma_wait3A_568 = tpu.memref_slice %arg2[%dma_wait3A_566, %dma_wait3A_567] : memref<1000000x34xf32, #tpu.memory_space<any>> -> memref<1x34xf32, #tpu.memory_space<any>>
    tpu.wait_dma2 semaphore(%arg5 : memref<!tpu.dma_semaphore, #tpu.memory_space<semaphore_mem>>) src(%dma_wait3A_568 : memref<1x34xf32, #tpu.memory_space<any>>) dst(%dma_wait3A_565 : memref<1x34xf32, #tpu.memory_space<vmem>>)
    %dma_wait3A_569 = arith.constant 10 : i32
    %dma_wait3A_570 = arith.constant 0 : i32
    %dma_wait3A_571 = tpu.memref_slice %arg4[%dma_wait3A_569, %dma_wait3A_570] : memref<64x34xf32, #tpu.memory_space<vmem>> -> memref<1x34xf32, #tpu.memory_space<vmem>>
    %dma_wait3A_572 = arith.constant 0 : i32
    %dma_wait3A_573 = arith.constant 0 : i32
    %dma_wait3A_574 = tpu.memref_slice %arg2[%dma_wait3A_572, %dma_wait3A_573] : memref<1000000x34xf32, #tpu.memory_space<any>> -> memref<1x34xf32, #tpu.memory_space<any>>
    tpu.wait_dma2 semaphore(%arg5 : memref<!tpu.dma_semaphore, #tpu.memory_space<semaphore_mem>>) src(%dma_wait3A_574 : memref<1x34xf32, #tpu.memory_space<any>>) dst(%dma_wait3A_571 : memref<1x34xf32, #tpu.memory_space<vmem>>)
    %dma_wait3A_575 = arith.constant 11 : i32
    %dma_wait3A_576 = arith.constant 0 : i32
    %dma_wait3A_577 = tpu.memref_slice %arg4[%dma_wait3A_575, %dma_wait3A_576] : memref<64x34xf32, #tpu.memory_space<vmem>> -> memref<1x34xf32, #tpu.memory_space<vmem>>
    %dma_wait3A_578 = arith.constant 0 : i32
    %dma_wait3A_579 = arith.constant 0 : i32
    %dma_wait3A_580 = tpu.memref_slice %arg2[%dma_wait3A_578, %dma_wait3A_579] : memref<1000000x34xf32, #tpu.memory_space<any>> -> memref<1x34xf32, #tpu.memory_space<any>>
    tpu.wait_dma2 semaphore(%arg5 : memref<!tpu.dma_semaphore, #tpu.memory_space<semaphore_mem>>) src(%dma_wait3A_580 : memref<1x34xf32, #tpu.memory_space<any>>) dst(%dma_wait3A_577 : memref<1x34xf32, #tpu.memory_space<vmem>>)
    %dma_wait3A_581 = arith.constant 12 : i32
    %dma_wait3A_582 = arith.constant 0 : i32
    %dma_wait3A_583 = tpu.memref_slice %arg4[%dma_wait3A_581, %dma_wait3A_582] : memref<64x34xf32, #tpu.memory_space<vmem>> -> memref<1x34xf32, #tpu.memory_space<vmem>>
    %dma_wait3A_584 = arith.constant 0 : i32
    %dma_wait3A_585 = arith.constant 0 : i32
    %dma_wait3A_586 = tpu.memref_slice %arg2[%dma_wait3A_584, %dma_wait3A_585] : memref<1000000x34xf32, #tpu.memory_space<any>> -> memref<1x34xf32, #tpu.memory_space<any>>
    tpu.wait_dma2 semaphore(%arg5 : memref<!tpu.dma_semaphore, #tpu.memory_space<semaphore_mem>>) src(%dma_wait3A_586 : memref<1x34xf32, #tpu.memory_space<any>>) dst(%dma_wait3A_583 : memref<1x34xf32, #tpu.memory_space<vmem>>)
    %dma_wait3A_587 = arith.constant 13 : i32
    %dma_wait3A_588 = arith.constant 0 : i32
    %dma_wait3A_589 = tpu.memref_slice %arg4[%dma_wait3A_587, %dma_wait3A_588] : memref<64x34xf32, #tpu.memory_space<vmem>> -> memref<1x34xf32, #tpu.memory_space<vmem>>
    %dma_wait3A_590 = arith.constant 0 : i32
    %dma_wait3A_591 = arith.constant 0 : i32
    %dma_wait3A_592 = tpu.memref_slice %arg2[%dma_wait3A_590, %dma_wait3A_591] : memref<1000000x34xf32, #tpu.memory_space<any>> -> memref<1x34xf32, #tpu.memory_space<any>>
    tpu.wait_dma2 semaphore(%arg5 : memref<!tpu.dma_semaphore, #tpu.memory_space<semaphore_mem>>) src(%dma_wait3A_592 : memref<1x34xf32, #tpu.memory_space<any>>) dst(%dma_wait3A_589 : memref<1x34xf32, #tpu.memory_space<vmem>>)
    %dma_wait3A_593 = arith.constant 14 : i32
    %dma_wait3A_594 = arith.constant 0 : i32
    %dma_wait3A_595 = tpu.memref_slice %arg4[%dma_wait3A_593, %dma_wait3A_594] : memref<64x34xf32, #tpu.memory_space<vmem>> -> memref<1x34xf32, #tpu.memory_space<vmem>>
    %dma_wait3A_596 = arith.constant 0 : i32
    %dma_wait3A_597 = arith.constant 0 : i32
    %dma_wait3A_598 = tpu.memref_slice %arg2[%dma_wait3A_596, %dma_wait3A_597] : memref<1000000x34xf32, #tpu.memory_space<any>> -> memref<1x34xf32, #tpu.memory_space<any>>
    tpu.wait_dma2 semaphore(%arg5 : memref<!tpu.dma_semaphore, #tpu.memory_space<semaphore_mem>>) src(%dma_wait3A_598 : memref<1x34xf32, #tpu.memory_space<any>>) dst(%dma_wait3A_595 : memref<1x34xf32, #tpu.memory_space<vmem>>)
    %dma_wait3A_599 = arith.constant 15 : i32
    %dma_wait3A_600 = arith.constant 0 : i32
    %dma_wait3A_601 = tpu.memref_slice %arg4[%dma_wait3A_599, %dma_wait3A_600] : memref<64x34xf32, #tpu.memory_space<vmem>> -> memref<1x34xf32, #tpu.memory_space<vmem>>
    %dma_wait3A_602 = arith.constant 0 : i32
    %dma_wait3A_603 = arith.constant 0 : i32
    %dma_wait3A_604 = tpu.memref_slice %arg2[%dma_wait3A_602, %dma_wait3A_603] : memref<1000000x34xf32, #tpu.memory_space<any>> -> memref<1x34xf32, #tpu.memory_space<any>>
    tpu.wait_dma2 semaphore(%arg5 : memref<!tpu.dma_semaphore, #tpu.memory_space<semaphore_mem>>) src(%dma_wait3A_604 : memref<1x34xf32, #tpu.memory_space<any>>) dst(%dma_wait3A_601 : memref<1x34xf32, #tpu.memory_space<vmem>>)
    %dma_wait3A_605 = arith.constant 16 : i32
    %dma_wait3A_606 = arith.constant 0 : i32
    %dma_wait3A_607 = tpu.memref_slice %arg4[%dma_wait3A_605, %dma_wait3A_606] : memref<64x34xf32, #tpu.memory_space<vmem>> -> memref<1x34xf32, #tpu.memory_space<vmem>>
    %dma_wait3A_608 = arith.constant 0 : i32
    %dma_wait3A_609 = arith.constant 0 : i32
    %dma_wait3A_610 = tpu.memref_slice %arg2[%dma_wait3A_608, %dma_wait3A_609] : memref<1000000x34xf32, #tpu.memory_space<any>> -> memref<1x34xf32, #tpu.memory_space<any>>
    tpu.wait_dma2 semaphore(%arg5 : memref<!tpu.dma_semaphore, #tpu.memory_space<semaphore_mem>>) src(%dma_wait3A_610 : memref<1x34xf32, #tpu.memory_space<any>>) dst(%dma_wait3A_607 : memref<1x34xf32, #tpu.memory_space<vmem>>)
    %dma_wait3A_611 = arith.constant 17 : i32
    %dma_wait3A_612 = arith.constant 0 : i32
    %dma_wait3A_613 = tpu.memref_slice %arg4[%dma_wait3A_611, %dma_wait3A_612] : memref<64x34xf32, #tpu.memory_space<vmem>> -> memref<1x34xf32, #tpu.memory_space<vmem>>
    %dma_wait3A_614 = arith.constant 0 : i32
    %dma_wait3A_615 = arith.constant 0 : i32
    %dma_wait3A_616 = tpu.memref_slice %arg2[%dma_wait3A_614, %dma_wait3A_615] : memref<1000000x34xf32, #tpu.memory_space<any>> -> memref<1x34xf32, #tpu.memory_space<any>>
    tpu.wait_dma2 semaphore(%arg5 : memref<!tpu.dma_semaphore, #tpu.memory_space<semaphore_mem>>) src(%dma_wait3A_616 : memref<1x34xf32, #tpu.memory_space<any>>) dst(%dma_wait3A_613 : memref<1x34xf32, #tpu.memory_space<vmem>>)
    %dma_wait3A_617 = arith.constant 18 : i32
    %dma_wait3A_618 = arith.constant 0 : i32
    %dma_wait3A_619 = tpu.memref_slice %arg4[%dma_wait3A_617, %dma_wait3A_618] : memref<64x34xf32, #tpu.memory_space<vmem>> -> memref<1x34xf32, #tpu.memory_space<vmem>>
    %dma_wait3A_620 = arith.constant 0 : i32
    %dma_wait3A_621 = arith.constant 0 : i32
    %dma_wait3A_622 = tpu.memref_slice %arg2[%dma_wait3A_620, %dma_wait3A_621] : memref<1000000x34xf32, #tpu.memory_space<any>> -> memref<1x34xf32, #tpu.memory_space<any>>
    tpu.wait_dma2 semaphore(%arg5 : memref<!tpu.dma_semaphore, #tpu.memory_space<semaphore_mem>>) src(%dma_wait3A_622 : memref<1x34xf32, #tpu.memory_space<any>>) dst(%dma_wait3A_619 : memref<1x34xf32, #tpu.memory_space<vmem>>)
    %dma_wait3A_623 = arith.constant 19 : i32
    %dma_wait3A_624 = arith.constant 0 : i32
    %dma_wait3A_625 = tpu.memref_slice %arg4[%dma_wait3A_623, %dma_wait3A_624] : memref<64x34xf32, #tpu.memory_space<vmem>> -> memref<1x34xf32, #tpu.memory_space<vmem>>
    %dma_wait3A_626 = arith.constant 0 : i32
    %dma_wait3A_627 = arith.constant 0 : i32
    %dma_wait3A_628 = tpu.memref_slice %arg2[%dma_wait3A_626, %dma_wait3A_627] : memref<1000000x34xf32, #tpu.memory_space<any>> -> memref<1x34xf32, #tpu.memory_space<any>>
    tpu.wait_dma2 semaphore(%arg5 : memref<!tpu.dma_semaphore, #tpu.memory_space<semaphore_mem>>) src(%dma_wait3A_628 : memref<1x34xf32, #tpu.memory_space<any>>) dst(%dma_wait3A_625 : memref<1x34xf32, #tpu.memory_space<vmem>>)
    %dma_wait3A_629 = arith.constant 20 : i32
    %dma_wait3A_630 = arith.constant 0 : i32
    %dma_wait3A_631 = tpu.memref_slice %arg4[%dma_wait3A_629, %dma_wait3A_630] : memref<64x34xf32, #tpu.memory_space<vmem>> -> memref<1x34xf32, #tpu.memory_space<vmem>>
    %dma_wait3A_632 = arith.constant 0 : i32
    %dma_wait3A_633 = arith.constant 0 : i32
    %dma_wait3A_634 = tpu.memref_slice %arg2[%dma_wait3A_632, %dma_wait3A_633] : memref<1000000x34xf32, #tpu.memory_space<any>> -> memref<1x34xf32, #tpu.memory_space<any>>
    tpu.wait_dma2 semaphore(%arg5 : memref<!tpu.dma_semaphore, #tpu.memory_space<semaphore_mem>>) src(%dma_wait3A_634 : memref<1x34xf32, #tpu.memory_space<any>>) dst(%dma_wait3A_631 : memref<1x34xf32, #tpu.memory_space<vmem>>)
    %dma_wait3A_635 = arith.constant 21 : i32
    %dma_wait3A_636 = arith.constant 0 : i32
    %dma_wait3A_637 = tpu.memref_slice %arg4[%dma_wait3A_635, %dma_wait3A_636] : memref<64x34xf32, #tpu.memory_space<vmem>> -> memref<1x34xf32, #tpu.memory_space<vmem>>
    %dma_wait3A_638 = arith.constant 0 : i32
    %dma_wait3A_639 = arith.constant 0 : i32
    %dma_wait3A_640 = tpu.memref_slice %arg2[%dma_wait3A_638, %dma_wait3A_639] : memref<1000000x34xf32, #tpu.memory_space<any>> -> memref<1x34xf32, #tpu.memory_space<any>>
    tpu.wait_dma2 semaphore(%arg5 : memref<!tpu.dma_semaphore, #tpu.memory_space<semaphore_mem>>) src(%dma_wait3A_640 : memref<1x34xf32, #tpu.memory_space<any>>) dst(%dma_wait3A_637 : memref<1x34xf32, #tpu.memory_space<vmem>>)
    %dma_wait3A_641 = arith.constant 22 : i32
    %dma_wait3A_642 = arith.constant 0 : i32
    %dma_wait3A_643 = tpu.memref_slice %arg4[%dma_wait3A_641, %dma_wait3A_642] : memref<64x34xf32, #tpu.memory_space<vmem>> -> memref<1x34xf32, #tpu.memory_space<vmem>>
    %dma_wait3A_644 = arith.constant 0 : i32
    %dma_wait3A_645 = arith.constant 0 : i32
    %dma_wait3A_646 = tpu.memref_slice %arg2[%dma_wait3A_644, %dma_wait3A_645] : memref<1000000x34xf32, #tpu.memory_space<any>> -> memref<1x34xf32, #tpu.memory_space<any>>
    tpu.wait_dma2 semaphore(%arg5 : memref<!tpu.dma_semaphore, #tpu.memory_space<semaphore_mem>>) src(%dma_wait3A_646 : memref<1x34xf32, #tpu.memory_space<any>>) dst(%dma_wait3A_643 : memref<1x34xf32, #tpu.memory_space<vmem>>)
    %dma_wait3A_647 = arith.constant 23 : i32
    %dma_wait3A_648 = arith.constant 0 : i32
    %dma_wait3A_649 = tpu.memref_slice %arg4[%dma_wait3A_647, %dma_wait3A_648] : memref<64x34xf32, #tpu.memory_space<vmem>> -> memref<1x34xf32, #tpu.memory_space<vmem>>
    %dma_wait3A_650 = arith.constant 0 : i32
    %dma_wait3A_651 = arith.constant 0 : i32
    %dma_wait3A_652 = tpu.memref_slice %arg2[%dma_wait3A_650, %dma_wait3A_651] : memref<1000000x34xf32, #tpu.memory_space<any>> -> memref<1x34xf32, #tpu.memory_space<any>>
    tpu.wait_dma2 semaphore(%arg5 : memref<!tpu.dma_semaphore, #tpu.memory_space<semaphore_mem>>) src(%dma_wait3A_652 : memref<1x34xf32, #tpu.memory_space<any>>) dst(%dma_wait3A_649 : memref<1x34xf32, #tpu.memory_space<vmem>>)
    %dma_wait3A_653 = arith.constant 24 : i32
    %dma_wait3A_654 = arith.constant 0 : i32
    %dma_wait3A_655 = tpu.memref_slice %arg4[%dma_wait3A_653, %dma_wait3A_654] : memref<64x34xf32, #tpu.memory_space<vmem>> -> memref<1x34xf32, #tpu.memory_space<vmem>>
    %dma_wait3A_656 = arith.constant 0 : i32
    %dma_wait3A_657 = arith.constant 0 : i32
    %dma_wait3A_658 = tpu.memref_slice %arg2[%dma_wait3A_656, %dma_wait3A_657] : memref<1000000x34xf32, #tpu.memory_space<any>> -> memref<1x34xf32, #tpu.memory_space<any>>
    tpu.wait_dma2 semaphore(%arg5 : memref<!tpu.dma_semaphore, #tpu.memory_space<semaphore_mem>>) src(%dma_wait3A_658 : memref<1x34xf32, #tpu.memory_space<any>>) dst(%dma_wait3A_655 : memref<1x34xf32, #tpu.memory_space<vmem>>)
    %dma_wait3A_659 = arith.constant 25 : i32
    %dma_wait3A_660 = arith.constant 0 : i32
    %dma_wait3A_661 = tpu.memref_slice %arg4[%dma_wait3A_659, %dma_wait3A_660] : memref<64x34xf32, #tpu.memory_space<vmem>> -> memref<1x34xf32, #tpu.memory_space<vmem>>
    %dma_wait3A_662 = arith.constant 0 : i32
    %dma_wait3A_663 = arith.constant 0 : i32
    %dma_wait3A_664 = tpu.memref_slice %arg2[%dma_wait3A_662, %dma_wait3A_663] : memref<1000000x34xf32, #tpu.memory_space<any>> -> memref<1x34xf32, #tpu.memory_space<any>>
    tpu.wait_dma2 semaphore(%arg5 : memref<!tpu.dma_semaphore, #tpu.memory_space<semaphore_mem>>) src(%dma_wait3A_664 : memref<1x34xf32, #tpu.memory_space<any>>) dst(%dma_wait3A_661 : memref<1x34xf32, #tpu.memory_space<vmem>>)
    %dma_wait3A_665 = arith.constant 26 : i32
    %dma_wait3A_666 = arith.constant 0 : i32
    %dma_wait3A_667 = tpu.memref_slice %arg4[%dma_wait3A_665, %dma_wait3A_666] : memref<64x34xf32, #tpu.memory_space<vmem>> -> memref<1x34xf32, #tpu.memory_space<vmem>>
    %dma_wait3A_668 = arith.constant 0 : i32
    %dma_wait3A_669 = arith.constant 0 : i32
    %dma_wait3A_670 = tpu.memref_slice %arg2[%dma_wait3A_668, %dma_wait3A_669] : memref<1000000x34xf32, #tpu.memory_space<any>> -> memref<1x34xf32, #tpu.memory_space<any>>
    tpu.wait_dma2 semaphore(%arg5 : memref<!tpu.dma_semaphore, #tpu.memory_space<semaphore_mem>>) src(%dma_wait3A_670 : memref<1x34xf32, #tpu.memory_space<any>>) dst(%dma_wait3A_667 : memref<1x34xf32, #tpu.memory_space<vmem>>)
    %dma_wait3A_671 = arith.constant 27 : i32
    %dma_wait3A_672 = arith.constant 0 : i32
    %dma_wait3A_673 = tpu.memref_slice %arg4[%dma_wait3A_671, %dma_wait3A_672] : memref<64x34xf32, #tpu.memory_space<vmem>> -> memref<1x34xf32, #tpu.memory_space<vmem>>
    %dma_wait3A_674 = arith.constant 0 : i32
    %dma_wait3A_675 = arith.constant 0 : i32
    %dma_wait3A_676 = tpu.memref_slice %arg2[%dma_wait3A_674, %dma_wait3A_675] : memref<1000000x34xf32, #tpu.memory_space<any>> -> memref<1x34xf32, #tpu.memory_space<any>>
    tpu.wait_dma2 semaphore(%arg5 : memref<!tpu.dma_semaphore, #tpu.memory_space<semaphore_mem>>) src(%dma_wait3A_676 : memref<1x34xf32, #tpu.memory_space<any>>) dst(%dma_wait3A_673 : memref<1x34xf32, #tpu.memory_space<vmem>>)
    %dma_wait3A_677 = arith.constant 28 : i32
    %dma_wait3A_678 = arith.constant 0 : i32
    %dma_wait3A_679 = tpu.memref_slice %arg4[%dma_wait3A_677, %dma_wait3A_678] : memref<64x34xf32, #tpu.memory_space<vmem>> -> memref<1x34xf32, #tpu.memory_space<vmem>>
    %dma_wait3A_680 = arith.constant 0 : i32
    %dma_wait3A_681 = arith.constant 0 : i32
    %dma_wait3A_682 = tpu.memref_slice %arg2[%dma_wait3A_680, %dma_wait3A_681] : memref<1000000x34xf32, #tpu.memory_space<any>> -> memref<1x34xf32, #tpu.memory_space<any>>
    tpu.wait_dma2 semaphore(%arg5 : memref<!tpu.dma_semaphore, #tpu.memory_space<semaphore_mem>>) src(%dma_wait3A_682 : memref<1x34xf32, #tpu.memory_space<any>>) dst(%dma_wait3A_679 : memref<1x34xf32, #tpu.memory_space<vmem>>)
    %dma_wait3A_683 = arith.constant 29 : i32
    %dma_wait3A_684 = arith.constant 0 : i32
    %dma_wait3A_685 = tpu.memref_slice %arg4[%dma_wait3A_683, %dma_wait3A_684] : memref<64x34xf32, #tpu.memory_space<vmem>> -> memref<1x34xf32, #tpu.memory_space<vmem>>
    %dma_wait3A_686 = arith.constant 0 : i32
    %dma_wait3A_687 = arith.constant 0 : i32
    %dma_wait3A_688 = tpu.memref_slice %arg2[%dma_wait3A_686, %dma_wait3A_687] : memref<1000000x34xf32, #tpu.memory_space<any>> -> memref<1x34xf32, #tpu.memory_space<any>>
    tpu.wait_dma2 semaphore(%arg5 : memref<!tpu.dma_semaphore, #tpu.memory_space<semaphore_mem>>) src(%dma_wait3A_688 : memref<1x34xf32, #tpu.memory_space<any>>) dst(%dma_wait3A_685 : memref<1x34xf32, #tpu.memory_space<vmem>>)
    %dma_wait3A_689 = arith.constant 30 : i32
    %dma_wait3A_690 = arith.constant 0 : i32
    %dma_wait3A_691 = tpu.memref_slice %arg4[%dma_wait3A_689, %dma_wait3A_690] : memref<64x34xf32, #tpu.memory_space<vmem>> -> memref<1x34xf32, #tpu.memory_space<vmem>>
    %dma_wait3A_692 = arith.constant 0 : i32
    %dma_wait3A_693 = arith.constant 0 : i32
    %dma_wait3A_694 = tpu.memref_slice %arg2[%dma_wait3A_692, %dma_wait3A_693] : memref<1000000x34xf32, #tpu.memory_space<any>> -> memref<1x34xf32, #tpu.memory_space<any>>
    tpu.wait_dma2 semaphore(%arg5 : memref<!tpu.dma_semaphore, #tpu.memory_space<semaphore_mem>>) src(%dma_wait3A_694 : memref<1x34xf32, #tpu.memory_space<any>>) dst(%dma_wait3A_691 : memref<1x34xf32, #tpu.memory_space<vmem>>)
    %dma_wait3A_695 = arith.constant 31 : i32
    %dma_wait3A_696 = arith.constant 0 : i32
    %dma_wait3A_697 = tpu.memref_slice %arg4[%dma_wait3A_695, %dma_wait3A_696] : memref<64x34xf32, #tpu.memory_space<vmem>> -> memref<1x34xf32, #tpu.memory_space<vmem>>
    %dma_wait3A_698 = arith.constant 0 : i32
    %dma_wait3A_699 = arith.constant 0 : i32
    %dma_wait3A_700 = tpu.memref_slice %arg2[%dma_wait3A_698, %dma_wait3A_699] : memref<1000000x34xf32, #tpu.memory_space<any>> -> memref<1x34xf32, #tpu.memory_space<any>>
    tpu.wait_dma2 semaphore(%arg5 : memref<!tpu.dma_semaphore, #tpu.memory_space<semaphore_mem>>) src(%dma_wait3A_700 : memref<1x34xf32, #tpu.memory_space<any>>) dst(%dma_wait3A_697 : memref<1x34xf32, #tpu.memory_space<vmem>>)
    %dma_wait3A_701 = arith.constant 32 : i32
    %dma_wait3A_702 = arith.constant 0 : i32
    %dma_wait3A_703 = tpu.memref_slice %arg4[%dma_wait3A_701, %dma_wait3A_702] : memref<64x34xf32, #tpu.memory_space<vmem>> -> memref<1x34xf32, #tpu.memory_space<vmem>>
    %dma_wait3A_704 = arith.constant 0 : i32
    %dma_wait3A_705 = arith.constant 0 : i32
    %dma_wait3A_706 = tpu.memref_slice %arg2[%dma_wait3A_704, %dma_wait3A_705] : memref<1000000x34xf32, #tpu.memory_space<any>> -> memref<1x34xf32, #tpu.memory_space<any>>
    tpu.wait_dma2 semaphore(%arg5 : memref<!tpu.dma_semaphore, #tpu.memory_space<semaphore_mem>>) src(%dma_wait3A_706 : memref<1x34xf32, #tpu.memory_space<any>>) dst(%dma_wait3A_703 : memref<1x34xf32, #tpu.memory_space<vmem>>)
    %dma_wait3A_707 = arith.constant 33 : i32
    %dma_wait3A_708 = arith.constant 0 : i32
    %dma_wait3A_709 = tpu.memref_slice %arg4[%dma_wait3A_707, %dma_wait3A_708] : memref<64x34xf32, #tpu.memory_space<vmem>> -> memref<1x34xf32, #tpu.memory_space<vmem>>
    %dma_wait3A_710 = arith.constant 0 : i32
    %dma_wait3A_711 = arith.constant 0 : i32
    %dma_wait3A_712 = tpu.memref_slice %arg2[%dma_wait3A_710, %dma_wait3A_711] : memref<1000000x34xf32, #tpu.memory_space<any>> -> memref<1x34xf32, #tpu.memory_space<any>>
    tpu.wait_dma2 semaphore(%arg5 : memref<!tpu.dma_semaphore, #tpu.memory_space<semaphore_mem>>) src(%dma_wait3A_712 : memref<1x34xf32, #tpu.memory_space<any>>) dst(%dma_wait3A_709 : memref<1x34xf32, #tpu.memory_space<vmem>>)
    %dma_wait3A_713 = arith.constant 34 : i32
    %dma_wait3A_714 = arith.constant 0 : i32
    %dma_wait3A_715 = tpu.memref_slice %arg4[%dma_wait3A_713, %dma_wait3A_714] : memref<64x34xf32, #tpu.memory_space<vmem>> -> memref<1x34xf32, #tpu.memory_space<vmem>>
    %dma_wait3A_716 = arith.constant 0 : i32
    %dma_wait3A_717 = arith.constant 0 : i32
    %dma_wait3A_718 = tpu.memref_slice %arg2[%dma_wait3A_716, %dma_wait3A_717] : memref<1000000x34xf32, #tpu.memory_space<any>> -> memref<1x34xf32, #tpu.memory_space<any>>
    tpu.wait_dma2 semaphore(%arg5 : memref<!tpu.dma_semaphore, #tpu.memory_space<semaphore_mem>>) src(%dma_wait3A_718 : memref<1x34xf32, #tpu.memory_space<any>>) dst(%dma_wait3A_715 : memref<1x34xf32, #tpu.memory_space<vmem>>)
    %dma_wait3A_719 = arith.constant 35 : i32
    %dma_wait3A_720 = arith.constant 0 : i32
    %dma_wait3A_721 = tpu.memref_slice %arg4[%dma_wait3A_719, %dma_wait3A_720] : memref<64x34xf32, #tpu.memory_space<vmem>> -> memref<1x34xf32, #tpu.memory_space<vmem>>
    %dma_wait3A_722 = arith.constant 0 : i32
    %dma_wait3A_723 = arith.constant 0 : i32
    %dma_wait3A_724 = tpu.memref_slice %arg2[%dma_wait3A_722, %dma_wait3A_723] : memref<1000000x34xf32, #tpu.memory_space<any>> -> memref<1x34xf32, #tpu.memory_space<any>>
    tpu.wait_dma2 semaphore(%arg5 : memref<!tpu.dma_semaphore, #tpu.memory_space<semaphore_mem>>) src(%dma_wait3A_724 : memref<1x34xf32, #tpu.memory_space<any>>) dst(%dma_wait3A_721 : memref<1x34xf32, #tpu.memory_space<vmem>>)
    %dma_wait3A_725 = arith.constant 36 : i32
    %dma_wait3A_726 = arith.constant 0 : i32
    %dma_wait3A_727 = tpu.memref_slice %arg4[%dma_wait3A_725, %dma_wait3A_726] : memref<64x34xf32, #tpu.memory_space<vmem>> -> memref<1x34xf32, #tpu.memory_space<vmem>>
    %dma_wait3A_728 = arith.constant 0 : i32
    %dma_wait3A_729 = arith.constant 0 : i32
    %dma_wait3A_730 = tpu.memref_slice %arg2[%dma_wait3A_728, %dma_wait3A_729] : memref<1000000x34xf32, #tpu.memory_space<any>> -> memref<1x34xf32, #tpu.memory_space<any>>
    tpu.wait_dma2 semaphore(%arg5 : memref<!tpu.dma_semaphore, #tpu.memory_space<semaphore_mem>>) src(%dma_wait3A_730 : memref<1x34xf32, #tpu.memory_space<any>>) dst(%dma_wait3A_727 : memref<1x34xf32, #tpu.memory_space<vmem>>)
    %dma_wait3A_731 = arith.constant 37 : i32
    %dma_wait3A_732 = arith.constant 0 : i32
    %dma_wait3A_733 = tpu.memref_slice %arg4[%dma_wait3A_731, %dma_wait3A_732] : memref<64x34xf32, #tpu.memory_space<vmem>> -> memref<1x34xf32, #tpu.memory_space<vmem>>
    %dma_wait3A_734 = arith.constant 0 : i32
    %dma_wait3A_735 = arith.constant 0 : i32
    %dma_wait3A_736 = tpu.memref_slice %arg2[%dma_wait3A_734, %dma_wait3A_735] : memref<1000000x34xf32, #tpu.memory_space<any>> -> memref<1x34xf32, #tpu.memory_space<any>>
    tpu.wait_dma2 semaphore(%arg5 : memref<!tpu.dma_semaphore, #tpu.memory_space<semaphore_mem>>) src(%dma_wait3A_736 : memref<1x34xf32, #tpu.memory_space<any>>) dst(%dma_wait3A_733 : memref<1x34xf32, #tpu.memory_space<vmem>>)
    %dma_wait3A_737 = arith.constant 38 : i32
    %dma_wait3A_738 = arith.constant 0 : i32
    %dma_wait3A_739 = tpu.memref_slice %arg4[%dma_wait3A_737, %dma_wait3A_738] : memref<64x34xf32, #tpu.memory_space<vmem>> -> memref<1x34xf32, #tpu.memory_space<vmem>>
    %dma_wait3A_740 = arith.constant 0 : i32
    %dma_wait3A_741 = arith.constant 0 : i32
    %dma_wait3A_742 = tpu.memref_slice %arg2[%dma_wait3A_740, %dma_wait3A_741] : memref<1000000x34xf32, #tpu.memory_space<any>> -> memref<1x34xf32, #tpu.memory_space<any>>
    tpu.wait_dma2 semaphore(%arg5 : memref<!tpu.dma_semaphore, #tpu.memory_space<semaphore_mem>>) src(%dma_wait3A_742 : memref<1x34xf32, #tpu.memory_space<any>>) dst(%dma_wait3A_739 : memref<1x34xf32, #tpu.memory_space<vmem>>)
    %dma_wait3A_743 = arith.constant 39 : i32
    %dma_wait3A_744 = arith.constant 0 : i32
    %dma_wait3A_745 = tpu.memref_slice %arg4[%dma_wait3A_743, %dma_wait3A_744] : memref<64x34xf32, #tpu.memory_space<vmem>> -> memref<1x34xf32, #tpu.memory_space<vmem>>
    %dma_wait3A_746 = arith.constant 0 : i32
    %dma_wait3A_747 = arith.constant 0 : i32
    %dma_wait3A_748 = tpu.memref_slice %arg2[%dma_wait3A_746, %dma_wait3A_747] : memref<1000000x34xf32, #tpu.memory_space<any>> -> memref<1x34xf32, #tpu.memory_space<any>>
    tpu.wait_dma2 semaphore(%arg5 : memref<!tpu.dma_semaphore, #tpu.memory_space<semaphore_mem>>) src(%dma_wait3A_748 : memref<1x34xf32, #tpu.memory_space<any>>) dst(%dma_wait3A_745 : memref<1x34xf32, #tpu.memory_space<vmem>>)
    %dma_wait3A_749 = arith.constant 40 : i32
    %dma_wait3A_750 = arith.constant 0 : i32
    %dma_wait3A_751 = tpu.memref_slice %arg4[%dma_wait3A_749, %dma_wait3A_750] : memref<64x34xf32, #tpu.memory_space<vmem>> -> memref<1x34xf32, #tpu.memory_space<vmem>>
    %dma_wait3A_752 = arith.constant 0 : i32
    %dma_wait3A_753 = arith.constant 0 : i32
    %dma_wait3A_754 = tpu.memref_slice %arg2[%dma_wait3A_752, %dma_wait3A_753] : memref<1000000x34xf32, #tpu.memory_space<any>> -> memref<1x34xf32, #tpu.memory_space<any>>
    tpu.wait_dma2 semaphore(%arg5 : memref<!tpu.dma_semaphore, #tpu.memory_space<semaphore_mem>>) src(%dma_wait3A_754 : memref<1x34xf32, #tpu.memory_space<any>>) dst(%dma_wait3A_751 : memref<1x34xf32, #tpu.memory_space<vmem>>)
    %dma_wait3A_755 = arith.constant 41 : i32
    %dma_wait3A_756 = arith.constant 0 : i32
    %dma_wait3A_757 = tpu.memref_slice %arg4[%dma_wait3A_755, %dma_wait3A_756] : memref<64x34xf32, #tpu.memory_space<vmem>> -> memref<1x34xf32, #tpu.memory_space<vmem>>
    %dma_wait3A_758 = arith.constant 0 : i32
    %dma_wait3A_759 = arith.constant 0 : i32
    %dma_wait3A_760 = tpu.memref_slice %arg2[%dma_wait3A_758, %dma_wait3A_759] : memref<1000000x34xf32, #tpu.memory_space<any>> -> memref<1x34xf32, #tpu.memory_space<any>>
    tpu.wait_dma2 semaphore(%arg5 : memref<!tpu.dma_semaphore, #tpu.memory_space<semaphore_mem>>) src(%dma_wait3A_760 : memref<1x34xf32, #tpu.memory_space<any>>) dst(%dma_wait3A_757 : memref<1x34xf32, #tpu.memory_space<vmem>>)
    %dma_wait3A_761 = arith.constant 42 : i32
    %dma_wait3A_762 = arith.constant 0 : i32
    %dma_wait3A_763 = tpu.memref_slice %arg4[%dma_wait3A_761, %dma_wait3A_762] : memref<64x34xf32, #tpu.memory_space<vmem>> -> memref<1x34xf32, #tpu.memory_space<vmem>>
    %dma_wait3A_764 = arith.constant 0 : i32
    %dma_wait3A_765 = arith.constant 0 : i32
    %dma_wait3A_766 = tpu.memref_slice %arg2[%dma_wait3A_764, %dma_wait3A_765] : memref<1000000x34xf32, #tpu.memory_space<any>> -> memref<1x34xf32, #tpu.memory_space<any>>
    tpu.wait_dma2 semaphore(%arg5 : memref<!tpu.dma_semaphore, #tpu.memory_space<semaphore_mem>>) src(%dma_wait3A_766 : memref<1x34xf32, #tpu.memory_space<any>>) dst(%dma_wait3A_763 : memref<1x34xf32, #tpu.memory_space<vmem>>)
    %dma_wait3A_767 = arith.constant 43 : i32
    %dma_wait3A_768 = arith.constant 0 : i32
    %dma_wait3A_769 = tpu.memref_slice %arg4[%dma_wait3A_767, %dma_wait3A_768] : memref<64x34xf32, #tpu.memory_space<vmem>> -> memref<1x34xf32, #tpu.memory_space<vmem>>
    %dma_wait3A_770 = arith.constant 0 : i32
    %dma_wait3A_771 = arith.constant 0 : i32
    %dma_wait3A_772 = tpu.memref_slice %arg2[%dma_wait3A_770, %dma_wait3A_771] : memref<1000000x34xf32, #tpu.memory_space<any>> -> memref<1x34xf32, #tpu.memory_space<any>>
    tpu.wait_dma2 semaphore(%arg5 : memref<!tpu.dma_semaphore, #tpu.memory_space<semaphore_mem>>) src(%dma_wait3A_772 : memref<1x34xf32, #tpu.memory_space<any>>) dst(%dma_wait3A_769 : memref<1x34xf32, #tpu.memory_space<vmem>>)
    %dma_wait3A_773 = arith.constant 44 : i32
    %dma_wait3A_774 = arith.constant 0 : i32
    %dma_wait3A_775 = tpu.memref_slice %arg4[%dma_wait3A_773, %dma_wait3A_774] : memref<64x34xf32, #tpu.memory_space<vmem>> -> memref<1x34xf32, #tpu.memory_space<vmem>>
    %dma_wait3A_776 = arith.constant 0 : i32
    %dma_wait3A_777 = arith.constant 0 : i32
    %dma_wait3A_778 = tpu.memref_slice %arg2[%dma_wait3A_776, %dma_wait3A_777] : memref<1000000x34xf32, #tpu.memory_space<any>> -> memref<1x34xf32, #tpu.memory_space<any>>
    tpu.wait_dma2 semaphore(%arg5 : memref<!tpu.dma_semaphore, #tpu.memory_space<semaphore_mem>>) src(%dma_wait3A_778 : memref<1x34xf32, #tpu.memory_space<any>>) dst(%dma_wait3A_775 : memref<1x34xf32, #tpu.memory_space<vmem>>)
    %dma_wait3A_779 = arith.constant 45 : i32
    %dma_wait3A_780 = arith.constant 0 : i32
    %dma_wait3A_781 = tpu.memref_slice %arg4[%dma_wait3A_779, %dma_wait3A_780] : memref<64x34xf32, #tpu.memory_space<vmem>> -> memref<1x34xf32, #tpu.memory_space<vmem>>
    %dma_wait3A_782 = arith.constant 0 : i32
    %dma_wait3A_783 = arith.constant 0 : i32
    %dma_wait3A_784 = tpu.memref_slice %arg2[%dma_wait3A_782, %dma_wait3A_783] : memref<1000000x34xf32, #tpu.memory_space<any>> -> memref<1x34xf32, #tpu.memory_space<any>>
    tpu.wait_dma2 semaphore(%arg5 : memref<!tpu.dma_semaphore, #tpu.memory_space<semaphore_mem>>) src(%dma_wait3A_784 : memref<1x34xf32, #tpu.memory_space<any>>) dst(%dma_wait3A_781 : memref<1x34xf32, #tpu.memory_space<vmem>>)
    %dma_wait3A_785 = arith.constant 46 : i32
    %dma_wait3A_786 = arith.constant 0 : i32
    %dma_wait3A_787 = tpu.memref_slice %arg4[%dma_wait3A_785, %dma_wait3A_786] : memref<64x34xf32, #tpu.memory_space<vmem>> -> memref<1x34xf32, #tpu.memory_space<vmem>>
    %dma_wait3A_788 = arith.constant 0 : i32
    %dma_wait3A_789 = arith.constant 0 : i32
    %dma_wait3A_790 = tpu.memref_slice %arg2[%dma_wait3A_788, %dma_wait3A_789] : memref<1000000x34xf32, #tpu.memory_space<any>> -> memref<1x34xf32, #tpu.memory_space<any>>
    tpu.wait_dma2 semaphore(%arg5 : memref<!tpu.dma_semaphore, #tpu.memory_space<semaphore_mem>>) src(%dma_wait3A_790 : memref<1x34xf32, #tpu.memory_space<any>>) dst(%dma_wait3A_787 : memref<1x34xf32, #tpu.memory_space<vmem>>)
    %dma_wait3A_791 = arith.constant 47 : i32
    %dma_wait3A_792 = arith.constant 0 : i32
    %dma_wait3A_793 = tpu.memref_slice %arg4[%dma_wait3A_791, %dma_wait3A_792] : memref<64x34xf32, #tpu.memory_space<vmem>> -> memref<1x34xf32, #tpu.memory_space<vmem>>
    %dma_wait3A_794 = arith.constant 0 : i32
    %dma_wait3A_795 = arith.constant 0 : i32
    %dma_wait3A_796 = tpu.memref_slice %arg2[%dma_wait3A_794, %dma_wait3A_795] : memref<1000000x34xf32, #tpu.memory_space<any>> -> memref<1x34xf32, #tpu.memory_space<any>>
    tpu.wait_dma2 semaphore(%arg5 : memref<!tpu.dma_semaphore, #tpu.memory_space<semaphore_mem>>) src(%dma_wait3A_796 : memref<1x34xf32, #tpu.memory_space<any>>) dst(%dma_wait3A_793 : memref<1x34xf32, #tpu.memory_space<vmem>>)
    %dma_wait3A_797 = arith.constant 48 : i32
    %dma_wait3A_798 = arith.constant 0 : i32
    %dma_wait3A_799 = tpu.memref_slice %arg4[%dma_wait3A_797, %dma_wait3A_798] : memref<64x34xf32, #tpu.memory_space<vmem>> -> memref<1x34xf32, #tpu.memory_space<vmem>>
    %dma_wait3A_800 = arith.constant 0 : i32
    %dma_wait3A_801 = arith.constant 0 : i32
    %dma_wait3A_802 = tpu.memref_slice %arg2[%dma_wait3A_800, %dma_wait3A_801] : memref<1000000x34xf32, #tpu.memory_space<any>> -> memref<1x34xf32, #tpu.memory_space<any>>
    tpu.wait_dma2 semaphore(%arg5 : memref<!tpu.dma_semaphore, #tpu.memory_space<semaphore_mem>>) src(%dma_wait3A_802 : memref<1x34xf32, #tpu.memory_space<any>>) dst(%dma_wait3A_799 : memref<1x34xf32, #tpu.memory_space<vmem>>)
    %dma_wait3A_803 = arith.constant 49 : i32
    %dma_wait3A_804 = arith.constant 0 : i32
    %dma_wait3A_805 = tpu.memref_slice %arg4[%dma_wait3A_803, %dma_wait3A_804] : memref<64x34xf32, #tpu.memory_space<vmem>> -> memref<1x34xf32, #tpu.memory_space<vmem>>
    %dma_wait3A_806 = arith.constant 0 : i32
    %dma_wait3A_807 = arith.constant 0 : i32
    %dma_wait3A_808 = tpu.memref_slice %arg2[%dma_wait3A_806, %dma_wait3A_807] : memref<1000000x34xf32, #tpu.memory_space<any>> -> memref<1x34xf32, #tpu.memory_space<any>>
    tpu.wait_dma2 semaphore(%arg5 : memref<!tpu.dma_semaphore, #tpu.memory_space<semaphore_mem>>) src(%dma_wait3A_808 : memref<1x34xf32, #tpu.memory_space<any>>) dst(%dma_wait3A_805 : memref<1x34xf32, #tpu.memory_space<vmem>>)
    %dma_wait3A_809 = arith.constant 50 : i32
    %dma_wait3A_810 = arith.constant 0 : i32
    %dma_wait3A_811 = tpu.memref_slice %arg4[%dma_wait3A_809, %dma_wait3A_810] : memref<64x34xf32, #tpu.memory_space<vmem>> -> memref<1x34xf32, #tpu.memory_space<vmem>>
    %dma_wait3A_812 = arith.constant 0 : i32
    %dma_wait3A_813 = arith.constant 0 : i32
    %dma_wait3A_814 = tpu.memref_slice %arg2[%dma_wait3A_812, %dma_wait3A_813] : memref<1000000x34xf32, #tpu.memory_space<any>> -> memref<1x34xf32, #tpu.memory_space<any>>
    tpu.wait_dma2 semaphore(%arg5 : memref<!tpu.dma_semaphore, #tpu.memory_space<semaphore_mem>>) src(%dma_wait3A_814 : memref<1x34xf32, #tpu.memory_space<any>>) dst(%dma_wait3A_811 : memref<1x34xf32, #tpu.memory_space<vmem>>)
    %dma_wait3A_815 = arith.constant 51 : i32
    %dma_wait3A_816 = arith.constant 0 : i32
    %dma_wait3A_817 = tpu.memref_slice %arg4[%dma_wait3A_815, %dma_wait3A_816] : memref<64x34xf32, #tpu.memory_space<vmem>> -> memref<1x34xf32, #tpu.memory_space<vmem>>
    %dma_wait3A_818 = arith.constant 0 : i32
    %dma_wait3A_819 = arith.constant 0 : i32
    %dma_wait3A_820 = tpu.memref_slice %arg2[%dma_wait3A_818, %dma_wait3A_819] : memref<1000000x34xf32, #tpu.memory_space<any>> -> memref<1x34xf32, #tpu.memory_space<any>>
    tpu.wait_dma2 semaphore(%arg5 : memref<!tpu.dma_semaphore, #tpu.memory_space<semaphore_mem>>) src(%dma_wait3A_820 : memref<1x34xf32, #tpu.memory_space<any>>) dst(%dma_wait3A_817 : memref<1x34xf32, #tpu.memory_space<vmem>>)
    %dma_wait3A_821 = arith.constant 52 : i32
    %dma_wait3A_822 = arith.constant 0 : i32
    %dma_wait3A_823 = tpu.memref_slice %arg4[%dma_wait3A_821, %dma_wait3A_822] : memref<64x34xf32, #tpu.memory_space<vmem>> -> memref<1x34xf32, #tpu.memory_space<vmem>>
    %dma_wait3A_824 = arith.constant 0 : i32
    %dma_wait3A_825 = arith.constant 0 : i32
    %dma_wait3A_826 = tpu.memref_slice %arg2[%dma_wait3A_824, %dma_wait3A_825] : memref<1000000x34xf32, #tpu.memory_space<any>> -> memref<1x34xf32, #tpu.memory_space<any>>
    tpu.wait_dma2 semaphore(%arg5 : memref<!tpu.dma_semaphore, #tpu.memory_space<semaphore_mem>>) src(%dma_wait3A_826 : memref<1x34xf32, #tpu.memory_space<any>>) dst(%dma_wait3A_823 : memref<1x34xf32, #tpu.memory_space<vmem>>)
    %dma_wait3A_827 = arith.constant 53 : i32
    %dma_wait3A_828 = arith.constant 0 : i32
    %dma_wait3A_829 = tpu.memref_slice %arg4[%dma_wait3A_827, %dma_wait3A_828] : memref<64x34xf32, #tpu.memory_space<vmem>> -> memref<1x34xf32, #tpu.memory_space<vmem>>
    %dma_wait3A_830 = arith.constant 0 : i32
    %dma_wait3A_831 = arith.constant 0 : i32
    %dma_wait3A_832 = tpu.memref_slice %arg2[%dma_wait3A_830, %dma_wait3A_831] : memref<1000000x34xf32, #tpu.memory_space<any>> -> memref<1x34xf32, #tpu.memory_space<any>>
    tpu.wait_dma2 semaphore(%arg5 : memref<!tpu.dma_semaphore, #tpu.memory_space<semaphore_mem>>) src(%dma_wait3A_832 : memref<1x34xf32, #tpu.memory_space<any>>) dst(%dma_wait3A_829 : memref<1x34xf32, #tpu.memory_space<vmem>>)
    %dma_wait3A_833 = arith.constant 54 : i32
    %dma_wait3A_834 = arith.constant 0 : i32
    %dma_wait3A_835 = tpu.memref_slice %arg4[%dma_wait3A_833, %dma_wait3A_834] : memref<64x34xf32, #tpu.memory_space<vmem>> -> memref<1x34xf32, #tpu.memory_space<vmem>>
    %dma_wait3A_836 = arith.constant 0 : i32
    %dma_wait3A_837 = arith.constant 0 : i32
    %dma_wait3A_838 = tpu.memref_slice %arg2[%dma_wait3A_836, %dma_wait3A_837] : memref<1000000x34xf32, #tpu.memory_space<any>> -> memref<1x34xf32, #tpu.memory_space<any>>
    tpu.wait_dma2 semaphore(%arg5 : memref<!tpu.dma_semaphore, #tpu.memory_space<semaphore_mem>>) src(%dma_wait3A_838 : memref<1x34xf32, #tpu.memory_space<any>>) dst(%dma_wait3A_835 : memref<1x34xf32, #tpu.memory_space<vmem>>)
    %dma_wait3A_839 = arith.constant 55 : i32
    %dma_wait3A_840 = arith.constant 0 : i32
    %dma_wait3A_841 = tpu.memref_slice %arg4[%dma_wait3A_839, %dma_wait3A_840] : memref<64x34xf32, #tpu.memory_space<vmem>> -> memref<1x34xf32, #tpu.memory_space<vmem>>
    %dma_wait3A_842 = arith.constant 0 : i32
    %dma_wait3A_843 = arith.constant 0 : i32
    %dma_wait3A_844 = tpu.memref_slice %arg2[%dma_wait3A_842, %dma_wait3A_843] : memref<1000000x34xf32, #tpu.memory_space<any>> -> memref<1x34xf32, #tpu.memory_space<any>>
    tpu.wait_dma2 semaphore(%arg5 : memref<!tpu.dma_semaphore, #tpu.memory_space<semaphore_mem>>) src(%dma_wait3A_844 : memref<1x34xf32, #tpu.memory_space<any>>) dst(%dma_wait3A_841 : memref<1x34xf32, #tpu.memory_space<vmem>>)
    %dma_wait3A_845 = arith.constant 56 : i32
    %dma_wait3A_846 = arith.constant 0 : i32
    %dma_wait3A_847 = tpu.memref_slice %arg4[%dma_wait3A_845, %dma_wait3A_846] : memref<64x34xf32, #tpu.memory_space<vmem>> -> memref<1x34xf32, #tpu.memory_space<vmem>>
    %dma_wait3A_848 = arith.constant 0 : i32
    %dma_wait3A_849 = arith.constant 0 : i32
    %dma_wait3A_850 = tpu.memref_slice %arg2[%dma_wait3A_848, %dma_wait3A_849] : memref<1000000x34xf32, #tpu.memory_space<any>> -> memref<1x34xf32, #tpu.memory_space<any>>
    tpu.wait_dma2 semaphore(%arg5 : memref<!tpu.dma_semaphore, #tpu.memory_space<semaphore_mem>>) src(%dma_wait3A_850 : memref<1x34xf32, #tpu.memory_space<any>>) dst(%dma_wait3A_847 : memref<1x34xf32, #tpu.memory_space<vmem>>)
    %dma_wait3A_851 = arith.constant 57 : i32
    %dma_wait3A_852 = arith.constant 0 : i32
    %dma_wait3A_853 = tpu.memref_slice %arg4[%dma_wait3A_851, %dma_wait3A_852] : memref<64x34xf32, #tpu.memory_space<vmem>> -> memref<1x34xf32, #tpu.memory_space<vmem>>
    %dma_wait3A_854 = arith.constant 0 : i32
    %dma_wait3A_855 = arith.constant 0 : i32
    %dma_wait3A_856 = tpu.memref_slice %arg2[%dma_wait3A_854, %dma_wait3A_855] : memref<1000000x34xf32, #tpu.memory_space<any>> -> memref<1x34xf32, #tpu.memory_space<any>>
    tpu.wait_dma2 semaphore(%arg5 : memref<!tpu.dma_semaphore, #tpu.memory_space<semaphore_mem>>) src(%dma_wait3A_856 : memref<1x34xf32, #tpu.memory_space<any>>) dst(%dma_wait3A_853 : memref<1x34xf32, #tpu.memory_space<vmem>>)
    %dma_wait3A_857 = arith.constant 58 : i32
    %dma_wait3A_858 = arith.constant 0 : i32
    %dma_wait3A_859 = tpu.memref_slice %arg4[%dma_wait3A_857, %dma_wait3A_858] : memref<64x34xf32, #tpu.memory_space<vmem>> -> memref<1x34xf32, #tpu.memory_space<vmem>>
    %dma_wait3A_860 = arith.constant 0 : i32
    %dma_wait3A_861 = arith.constant 0 : i32
    %dma_wait3A_862 = tpu.memref_slice %arg2[%dma_wait3A_860, %dma_wait3A_861] : memref<1000000x34xf32, #tpu.memory_space<any>> -> memref<1x34xf32, #tpu.memory_space<any>>
    tpu.wait_dma2 semaphore(%arg5 : memref<!tpu.dma_semaphore, #tpu.memory_space<semaphore_mem>>) src(%dma_wait3A_862 : memref<1x34xf32, #tpu.memory_space<any>>) dst(%dma_wait3A_859 : memref<1x34xf32, #tpu.memory_space<vmem>>)
    %dma_wait3A_863 = arith.constant 59 : i32
    %dma_wait3A_864 = arith.constant 0 : i32
    %dma_wait3A_865 = tpu.memref_slice %arg4[%dma_wait3A_863, %dma_wait3A_864] : memref<64x34xf32, #tpu.memory_space<vmem>> -> memref<1x34xf32, #tpu.memory_space<vmem>>
    %dma_wait3A_866 = arith.constant 0 : i32
    %dma_wait3A_867 = arith.constant 0 : i32
    %dma_wait3A_868 = tpu.memref_slice %arg2[%dma_wait3A_866, %dma_wait3A_867] : memref<1000000x34xf32, #tpu.memory_space<any>> -> memref<1x34xf32, #tpu.memory_space<any>>
    tpu.wait_dma2 semaphore(%arg5 : memref<!tpu.dma_semaphore, #tpu.memory_space<semaphore_mem>>) src(%dma_wait3A_868 : memref<1x34xf32, #tpu.memory_space<any>>) dst(%dma_wait3A_865 : memref<1x34xf32, #tpu.memory_space<vmem>>)
    %dma_wait3A_869 = arith.constant 60 : i32
    %dma_wait3A_870 = arith.constant 0 : i32
    %dma_wait3A_871 = tpu.memref_slice %arg4[%dma_wait3A_869, %dma_wait3A_870] : memref<64x34xf32, #tpu.memory_space<vmem>> -> memref<1x34xf32, #tpu.memory_space<vmem>>
    %dma_wait3A_872 = arith.constant 0 : i32
    %dma_wait3A_873 = arith.constant 0 : i32
    %dma_wait3A_874 = tpu.memref_slice %arg2[%dma_wait3A_872, %dma_wait3A_873] : memref<1000000x34xf32, #tpu.memory_space<any>> -> memref<1x34xf32, #tpu.memory_space<any>>
    tpu.wait_dma2 semaphore(%arg5 : memref<!tpu.dma_semaphore, #tpu.memory_space<semaphore_mem>>) src(%dma_wait3A_874 : memref<1x34xf32, #tpu.memory_space<any>>) dst(%dma_wait3A_871 : memref<1x34xf32, #tpu.memory_space<vmem>>)
    %dma_wait3A_875 = arith.constant 61 : i32
    %dma_wait3A_876 = arith.constant 0 : i32
    %dma_wait3A_877 = tpu.memref_slice %arg4[%dma_wait3A_875, %dma_wait3A_876] : memref<64x34xf32, #tpu.memory_space<vmem>> -> memref<1x34xf32, #tpu.memory_space<vmem>>
    %dma_wait3A_878 = arith.constant 0 : i32
    %dma_wait3A_879 = arith.constant 0 : i32
    %dma_wait3A_880 = tpu.memref_slice %arg2[%dma_wait3A_878, %dma_wait3A_879] : memref<1000000x34xf32, #tpu.memory_space<any>> -> memref<1x34xf32, #tpu.memory_space<any>>
    tpu.wait_dma2 semaphore(%arg5 : memref<!tpu.dma_semaphore, #tpu.memory_space<semaphore_mem>>) src(%dma_wait3A_880 : memref<1x34xf32, #tpu.memory_space<any>>) dst(%dma_wait3A_877 : memref<1x34xf32, #tpu.memory_space<vmem>>)
    %dma_wait3A_881 = arith.constant 62 : i32
    %dma_wait3A_882 = arith.constant 0 : i32
    %dma_wait3A_883 = tpu.memref_slice %arg4[%dma_wait3A_881, %dma_wait3A_882] : memref<64x34xf32, #tpu.memory_space<vmem>> -> memref<1x34xf32, #tpu.memory_space<vmem>>
    %dma_wait3A_884 = arith.constant 0 : i32
    %dma_wait3A_885 = arith.constant 0 : i32
    %dma_wait3A_886 = tpu.memref_slice %arg2[%dma_wait3A_884, %dma_wait3A_885] : memref<1000000x34xf32, #tpu.memory_space<any>> -> memref<1x34xf32, #tpu.memory_space<any>>
    tpu.wait_dma2 semaphore(%arg5 : memref<!tpu.dma_semaphore, #tpu.memory_space<semaphore_mem>>) src(%dma_wait3A_886 : memref<1x34xf32, #tpu.memory_space<any>>) dst(%dma_wait3A_883 : memref<1x34xf32, #tpu.memory_space<vmem>>)
    %dma_wait3A_887 = arith.constant 63 : i32
    %dma_wait3A_888 = arith.constant 0 : i32
    %dma_wait3A_889 = tpu.memref_slice %arg4[%dma_wait3A_887, %dma_wait3A_888] : memref<64x34xf32, #tpu.memory_space<vmem>> -> memref<1x34xf32, #tpu.memory_space<vmem>>
    %dma_wait3A_890 = arith.constant 0 : i32
    %dma_wait3A_891 = arith.constant 0 : i32
    %dma_wait3A_892 = tpu.memref_slice %arg2[%dma_wait3A_890, %dma_wait3A_891] : memref<1000000x34xf32, #tpu.memory_space<any>> -> memref<1x34xf32, #tpu.memory_space<any>>
    tpu.wait_dma2 semaphore(%arg5 : memref<!tpu.dma_semaphore, #tpu.memory_space<semaphore_mem>>) src(%dma_wait3A_892 : memref<1x34xf32, #tpu.memory_space<any>>) dst(%dma_wait3A_889 : memref<1x34xf32, #tpu.memory_space<vmem>>)
    %get3A_893 = arith.constant 0 : index
    %get3A_894 = arith.constant 0 : index
    %get3A_895 = vector.load %arg4[%get3A_893, %get3A_894] : memref<64x34xf32, #tpu.memory_space<vmem>>, vector<64x34xf32>
    %get3A_896 = arith.constant 0 : index
    %get3A_897 = arith.constant 0 : index
    %get3A_898 = vector.load %arg1[%get3A_896, %get3A_897] : memref<64x34xf32, #tpu.memory_space<vmem>>, vector<64x34xf32>
    %sub3A = arith.subf %get3A_895, %get3A_898 : vector<64x34xf32>
    %mul3A = arith.mulf %sub3A, %sub3A : vector<64x34xf32>
    %reduce_sum3A = arith.constant dense<0.000000e+00> : vector<64xf32>
    %reduce_sum3A_899 = vector.multi_reduction <add>, %mul3A, %reduce_sum3A [1] : vector<64x34xf32> to vector<64xf32>
    %broadcast_in_dim3A = vector.shape_cast %reduce_sum3A_899 : vector<64xf32> to vector<64x1xf32>
    %swap3A = arith.constant 0 : index
    %swap3A_900 = arith.constant 0 : index
    %swap3A_901 = vector.load %arg3[%swap3A, %swap3A_900] : memref<64x1xf32, #tpu.memory_space<vmem>>, vector<64x1xf32>
    tpu.vector_store %arg3[%swap3A, %swap3A_900], %broadcast_in_dim3A {strides = array<i32>} : memref<64x1xf32, #tpu.memory_space<vmem>>, vector<64x1xf32>,
    return
  }
}

</mosaic_0001>

<sc_bundles>
// kernel: kernel.6.cloned.1.call-start
scs
__scs_entry_jumppad:
0x0: {  	(pc) =	sbr.rel $0x88, $3  }
0x1: {  	(tag) =	ssettag $0x0;
	lr =	simm.s32 $0x1  }
0x2: {  	[smem:$0x3F9E] =	sst lr;
	_ =	strace $0xD0000000  }
0x3: {  	_ = 	snop  }
0x4: {  	_ = 	snop  }
0x5: {  	_ = 	snop  }
0x6: {  	_ = 	snop  }
0x7: {  	_ = 	snop  }
__scs_overlays_trampoline_lowered:
0x8: {  	[smem:$0x3FAD] =	sst s0  }
0x9: {  	[smem:$0x3FAE] =	sst s1  }
0xa: {  	[smem:$0x3FAF] =	sst s2  }
0xb: {  	[smem:$0x3FB0] =	sst s3  }
0xc: {  	[smem:$0x3FB1] =	sst s4  }
0xd: {  	[smem:$0x3FB2] =	sst s5  }
0xe: {  	[smem:$0x3FB3] =	sst s6  }
0xf: {  	[smem:$0x3FB4] =	sst s7  }
0x10: {  	[smem:$0x3FB5] =	sst s8  }
0x11: {  	[smem:$0x3FB6] =	sst s9;
	s0 =	simm.s32 @!p0 $0x0  }
0x12: {  	s1 =	sld [smem:$0x3F9C];
	s0 =	simm.s32 @p0 $0x1  }
0x13: {  	[smem:$0x3FB7] =	sst s0;
	s0 =	simm.s32 @!p1 $0x0  }
0x14: {  	s2 =	sld [smem:$0x3F9B];
	s0 =	simm.s32 @p1 $0x1  }
0x15: {  	[smem:$0x3FB8] =	sst s0;
	s0 =	simm.s32 @!p2 $0x0  }
0x16: {  	s3 =	sld [smem:$0x3FDB];
	s0 =	simm.s32 @p2 $0x1  }
0x17: {  	s4 =	simm.s32 $0x1BF5;
	[smem:$0x3FBA] =	sst s0  }
0x18: {  	s0 =	sld [smem:$0x3F9D];
	_ =	swait.ge [sflag:s4], $0x0  }
0x19: {  	s7 =	sld [smem:$0x3F9E]  }
0x1a: {  	s8 =	sadd.s32 $0xFFFFE003, lr  }
0x1b: {  	s9 =	sadd.s32 $0xFFFFFEF7, lr;
	s5 =	simm.s32 $0xFFFFFFFF;
	p2 =	slt.u32 s8, $0xFFFFF086  }
0x1c: {  	p1 =	slt.u32 s9, $0xF7A;
	s5 =	simm.s32 @!p2 $0x0  }
0x1d: {  	s5 =	simm.s32 @p1 $0x1;
	p0 =	seq.s32 s7, s2  }
0x1e: {  	s7 =	smul.u32 @!p0 $0xF7A, s2;
	p2 =	seq.s32 @!p0 s5, $0x0  }
0x1f: {  	s9 =	smul.u32 $0xF7A, s1;
	s8 =	simm.s32 @!p0 $0x1BF5;
	p2 =	por !p2, p0  }
0x20: {  	[sflag:s8] =	ssyncset.s32 @!p0 $0xFFFFF086;
	s6 =	sadd.s32 @!p0 s3, s7;
	s7 =	simm.s32 @!p0 $0x108  }
0x21: {  	s3 =	sadd.s32 s3, s9;
	s6 =	sadd.s32 @!p0 $0x88, s6;
	s7 =	simm.s32 @p2 $0x1082  }
0x22: {  	[simem:s7], [sflag:s8] =	dma.local @!p0 [hbm:s6], $0xF7A  }
0x23: {  	s9 =	sor.u32 $0xD0000000, s2;
	s6 =	simm.s32 $0x108;
	_ =	swait.ge @!p0 [sflag:s8], $0x0  }
0x24: {  	s3 =	sadd.s32 $0x88, s3;
	s6 =	simm.s32 @!p1 $0x1082;
	[sflag:s4] =	ssyncset.s32 $0xFFFFF086  }
0x25: {  	[simem:s6], [sflag:s4] =	dma.local [hbm:s3], $0xF7A  }
0x26: {  	[smem:$0x3F9E] =	sst s1;
	(tag) =	ssettag s2;
	_ =	strace s9  }
0x27: {  	s1 =	sld [smem:$0x3FAE]  }
0x28: {  	s2 =	sld [smem:$0x3FAF]  }
0x29: {  	s4 =	sld [smem:$0x3FB1]  }
0x2a: {  	p0 =	seq.s32 s5, $0x0;
	s5 =	sld [smem:$0x3FB2]  }
0x2b: {  	s6 =	sld [smem:$0x3FB3]  }
0x2c: {  	s7 =	sld [smem:$0x3FB4]  }
0x2d: {  	s3 =	simm.s32 $0x108;
	s8 =	sld [smem:$0x3FB5]  }
0x2e: {  	s3 =	simm.s32 @!p0 $0x1082;
	s9 =	sld [smem:$0x3FB6]  }
0x2f: {  	lr =	sadd.s32 s0, s3;
	s0 =	sld [smem:$0x3FAD]  }
0x30: {  	s3 =	sld [smem:$0x3FB0]  }
0x31: {  	[smem:$0x3FB9] =	sst s10  }
0x32: {  	s10 =	sld [smem:$0x3FB7];
	_ =	sdelay $0x3  }
0x33: {  	p0 =	seq.s32 s10, $0x1;
	s10 =	sld [smem:$0x3FB9];
	_ =	sdelay $0x3  }
0x34: {  	[smem:$0x3FB9] =	sst s10  }
0x35: {  	s10 =	sld [smem:$0x3FB8];
	_ =	sdelay $0x3  }
0x36: {  	p1 =	seq.s32 s10, $0x1;
	s10 =	sld [smem:$0x3FB9];
	_ =	sdelay $0x3  }
0x37: {  	[smem:$0x3FB9] =	sst s10  }
0x38: {  	s10 =	sld [smem:$0x3FBA]  }
0x39: {  	_ = 	snop;
	(pc) =	sbr.ind lr, $3  }
0x3a: {  	_ = 	snop  }
0x3b: {  	_ = 	snop  }
0x3c: {  	p2 =	seq.s32 s10, $0x1;
	s10 =	sld [smem:$0x3FB9]  }
0x3d: {  	_ =	shalt  }
0x3e: {  	_ =	shalt  }
0x3f: {  	_ =	shalt  }
0x40: {  	_ =	shalt  }
0x41: {  	_ =	shalt  }
0x42: {  	_ =	shalt  }
0x43: {  	_ =	shalt  }
0x44: {  	_ =	shalt  }
0x45: {  	_ =	shalt  }
0x46: {  	_ =	shalt  }
0x47: {  	_ =	shalt  }
0x48: {  	_ =	shalt  }
0x49: {  	_ =	shalt  }
0x4a: {  	_ =	shalt  }
0x4b: {  	_ =	shalt  }
0x4c: {  	_ =	shalt  }
0x4d: {  	_ =	shalt  }
0x4e: {  	_ =	shalt  }
0x4f: {  	_ =	shalt  }
0x50: {  	_ =	shalt  }
0x51: {  	_ =	shalt  }
0x52: {  	_ =	shalt  }
0x53: {  	_ =	shalt  }
0x54: {  	_ =	shalt  }
0x55: {  	_ =	shalt  }
0x56: {  	_ =	shalt  }
0x57: {  	_ =	shalt  }
0x58: {  	_ =	shalt  }
0x59: {  	_ =	shalt  }
0x5a: {  	_ =	shalt  }
0x5b: {  	_ =	shalt  }
0x5c: {  	_ =	shalt  }
0x5d: {  	_ =	shalt  }
0x5e: {  	_ =	shalt  }
0x5f: {  	_ =	shalt  }
0x60: {  	_ =	shalt  }
0x61: {  	_ =	shalt  }
0x62: {  	_ =	shalt  }
0x63: {  	_ =	shalt  }
0x64: {  	_ =	shalt  }
0x65: {  	_ =	shalt  }
0x66: {  	_ =	shalt  }
0x67: {  	_ =	shalt  }
0x68: {  	_ =	shalt  }
0x69: {  	_ =	shalt  }
0x6a: {  	_ =	shalt  }
0x6b: {  	_ =	shalt  }
0x6c: {  	_ =	shalt  }
0x6d: {  	_ =	shalt  }
0x6e: {  	_ =	shalt  }
0x6f: {  	_ =	shalt  }
0x70: {  	_ =	shalt  }
0x71: {  	_ =	shalt  }
0x72: {  	_ =	shalt  }
0x73: {  	_ =	shalt  }
0x74: {  	_ =	shalt  }
0x75: {  	_ =	shalt  }
0x76: {  	_ =	shalt  }
0x77: {  	_ =	shalt  }
0x78: {  	_ =	shalt  }
0x79: {  	_ =	shalt  }
0x7a: {  	_ =	shalt  }
0x7b: {  	_ =	shalt  }
0x7c: {  	_ =	shalt  }
0x7d: {  	_ =	shalt  }
0x7e: {  	_ =	shalt  }
0x7f: {  	_ =	shalt  }
0x80: {  	_ =	shalt  }
0x81: {  	_ =	shalt  }
0x82: {  	_ =	shalt  }
0x83: {  	_ =	shalt  }
0x84: {  	_ =	shalt  }
0x85: {  	_ =	shalt  }
0x86: {  	_ =	shalt  }
0x87: {  	_ =	shalt  }
.Lfunc_end0:
.L_simem_size_0:
called_computation_lowered:
.L_overlay_start_0:
0x88: {  	s2 =	sld [smem:$0x3FD9]  }
0x89: {  	s3 =	sld [smem:$0x3FFE];
	_ =	sdelay $0x1  }
0x8a: {  	s1 =	srdreg.scid  }
0x8b: {  	s0 =	sand.u32 $0x1, s1  }
0x8c: {  	s17 =	sshll.u32 s0, $0xA;
	s2 =	sadd.s32 s3, s2  }
0x8d: {  	s2 =	sadd.s32 s2, s17  }
0x8e: {  	[smem:$0x3FC5] =	sst s2  }
0x8f: {  	_ = 	snop  }
0x90: {  	s2 =	sld [smem:$0x3FD0];
	(tm) =	ssettm $0x1  }
0x91: {  	s18 =	sld [smem:$0x3FFB];
	_ =	sdelay $0x3  }
0x92: {  	_ =	strace s18  }
0x93: {  	s3 =	sld [smem:$0x3FFC];
	_ =	sdelay $0x3  }
0x94: {  	_ =	strace s3  }
0x95: {  	s3 =	sld [smem:$0x3FFD];
	_ =	sdelay $0x3  }
0x96: {  	_ =	strace s3  }
0x97: {  	_ =	strace $0x8FFFFFFF  }
0x98: {  	s19 =	sld [smem:$0x3FDB];
	_ =	sdelay $0x1  }
0x99: {  	s4 =	simm.s32 $_scs_section_size  }
0x9a: {  	s5 =	simm.s32 $_size__tile_overlayer_lowered;
	s6 =	simm.s32 $_tile_overlayer_lowered  }
0x9b: {  	s22 =	simm.s32 $0x1BFF;
	s21 =	sshll.u32 s6, $0x1;
	s3 =	sadd.s32 s4, s19  }
0x9c: {  	s7 =	simm.s32 $0x0;
	s20 =	sshll.u32 s5, $0x1;
	s5 =	sadd.s32 s21, s3  }
0x9d: {  	[timem:s7], [sflag:s22] =	dma.local [hbm:s5], s20  }
0x9e: {  	_ =	swait.ge [sflag:s22], s20  }
0x9f: {  	s4 =	ssub.s32 $0x0, s20;
	[sflag:s22] =	ssyncset.done $0x0  }
0xa0: {  	[sflag:s22] =	ssyncadd.s32 s4;
	_ =	sdelay $0x1  }
0xa1: {  	s23 =	simm.s32 $0x1B8B  }
0xa2: {  	_ =	swait.ge [sflag:s23], $0x1  }
0xa3: {  	[sflag:s23] =	ssyncset.done $0x0  }
0xa4: {  	s25 =	simm.s32 $0x1B8E;
	s24 =	sld [smem:$0x3FFE];
	[sflag:s23] =	ssyncadd.s32 $0xFFFFFFFF  }
0xa5: {  	s26 =	simm.s32 $execute0_lowered;
	[smem:$0x3FD2] =	sst s25  }
0xa6: {  	s5 =	sshll.u32 s26, $0x1;
	_ =	strace $0x80000046;
	[dreg:$0x1] =	wrdreg $0xFFFFFFFF  }
0xa7: {  	s28 =	simm.s32 $_size_execute0_lowered;
	s3 =	sadd.s32 s3, s5;
	[dreg:$0x0] =	wrdreg $0x0  }
0xa8: {  	s5 =	sshll.u32 s28, $0x1;
	[dreg:$0x2] =	wrdreg s3  }
0xa9: {  	[dreg:$0x3] =	wrdreg s5  }
0xaa: {  	[dreg:$0x4] =	wrdreg $0xC0  }
0xab: {  	_ =	task [dreg:s7], $0x5FFFF  }
0xac: {  	[dreg:$0x1] =	wrdreg $0xFFFFFFFF  }
0xad: {  	[dreg:$0x0] =	wrdreg $0x60  }
0xae: {  	[dreg:$0x2] =	wrdreg s24  }
0xaf: {  	[dreg:$0x3] =	wrdreg s2  }
0xb0: {  	[dreg:$0x4] =	wrdreg $0x9  }
0xb1: {  	_ =	task.clear_ibuf [dreg:s7], $0x5FFFF;
	_ =	strace $0x90000046  }
0xb2: {  	s29 =	simm.s32 $0x9;
	_ =	strace $0x80000048  }
0xb3: {  	_ =	swait.ge [sflag:s29], $0x1  }
0xb4: {  	[sflag:s29] =	ssyncadd.s32 $0xFFFFFFFF  }
0xb5: {  	_ =	strace $0x90000048  }
0xb6: {  	_ =	sfence  }
0xb7: {  	s30 =	sld [smem:$0x0];
	_ =	sdelay $0x2  }
0xb8: {  	s31 =	sshll.u32 s1, $0xD;
	s1 =	sshrl.u32 s1, $0x2  }
0xb9: {  	s3 =	sand.u32 $0x4000, s31;
	s1 =	sadd.s32 s1, s30  }
0xba: {  	s0 =	sor.u32 s3, s0;
	s1 =	sshll.u32 s1, $0x11  }
0xbb: {  	s0 =	sor.u32 s1, s0  }
0xbc: {  	s0 =	sadd.s32 $0x8F2B, s0  }
0xbd: {  	[sflag:s0] =	ssyncadd.remote.s32 $0x1  }
0xbe: {  	_ =	sfence.sel $0xFFFF  }
0xbf: {  	[dreg:$0x0] =	wrdreg $0xFFFFFFFF;
	(pc) =	sbr.abs _section_cstart, $3  }
0xc0: {  	[dreg:$0x1] =	wrdreg $0xFFFFFFFF  }
0xc1: {  	_ =	task.clear_ibuf [dreg:s7], $0x2FFFF;
	_ =	strace $0x9FFFFFFF  }
0xc2: {  	(tm) =	ssettm $0x7FFFFFFF  }
0xc3: {  	_ =	shalt  }
tec
execute0_lowered:
.L_overlay_start_1:
0x0: {  	(tag) =	ssettag $0x1  }
0x1: {  	s0 =	srdreg.scid  }
0x2: {  	s8 =	sand.u32 $0x1, s0;
	s0 =	stileid.u32  }
0x3: {  	s3 =	sor.u32 s0, s8  }
0x4: {  	p0 =	sne.s32 s3, $0x0  }
.Ltmp0:
0x5: {  	_ = 	snop;
	(pc) =	sbr.rel @p0 .LBB2_4-.Ltmp0, $4  }
0x6: {  	_ = 	snop  }
0x7: {  	s7 =	rddreg [dreg:$0x0]  }
0x8: {  	s2 =	rddreg [dreg:$0x1]  }
0x9: {  	s1 =	rddreg [dreg:$0x2];
	_ =	strace $0x80000047  }
0xa: {  	s4 =	sadd.s32 $0x600, s7;
	s5 =	simm.s32 $0x0;
	s3 =	simm.s32 $0x1  }
0xb: {  	[tilespmem:s5], [sflag:$0x1] =	stream.linear.gather [hbm4b:s4+s5], $0x80, $0x38;
	[tilespmem:$0x300] =	vst v63  }
0xc: {  	_ =	swait.ge [sflag:s3], $0x80  }
0xd: {  	[sflag:s3] =	ssyncset.done $0x0  }
0xe: {  	s6 =	simm.s32 $0x80;
	[sflag:s3] =	ssyncadd.s32 $0xFFFFFF80  }
0xf: {  	[tilespmem:s6], [sflag:$0x1] =	stream.linear.gather [hbm4b:s2+s5], $0x200, $0x38;
	[tilespmem:$0x300] =	vst v63  }
0x10: {  	_ =	swait.ge [sflag:s3], $0x200  }
0x11: {  	[sflag:s3] =	ssyncset.done $0x0  }
0x12: {  	[sflag:s3] =	ssyncadd.s32 $0xFFFFFE00  }
0x13: {  	v0 =	vld [tilespmem:$0x0]  }
0x14: {  	v1 =	vld [tilespmem:$0x80];
	_ =	sdelay $0x2  }
0x15: {  	v2 =	vld [tilespmem:$0x100]  }
0x16: {  	v3 =	vld [tilespmem:$0x10];
	vm0 =	vlt.f32 v0, $+Inf  }
0x17: {  	vm1 =	vgt.f32 v0, $+Inf;
	vm2 =	veq.f32 v0, $+Inf;
	vm3 =	vne.s32 v1, $0x7FFFFFFF  }
0x18: {  	vm0 =	vmor vm1, vm0;
	vm6 =	vmand vm2, vm3  }
0x19: {  	v4 =	vld [tilespmem:$0x180];
	vm0 =	vmor vm0, vm6  }
0x1a: {  	v5 =	vld [tilespmem:$0x20];
	v0 =	vnsel vm0, $0x7F800000, v0;
	v1 =	vnsel vm0, $0x7FFFFFFF, v1  }
0x1b: {  	vm7 =	veq.f32 v3, v0;
	vm8 =	vlt.s32 v2, v1  }
0x1c: {  	vm9 =	vlt.f32 v3, v0;
	vm0 =	vmand vm7, vm8  }
0x1d: {  	v6 =	vld [tilespmem:$0x200];
	vm0 =	vmor vm9, vm0  }
0x1e: {  	v7 =	vld [tilespmem:$0x30];
	v0 =	vsel vm0, v3, v0;
	v1 =	vsel vm0, v2, v1  }
0x1f: {  	vm10 =	veq.f32 v5, v0;
	vm11 =	vlt.s32 v4, v1  }
0x20: {  	vm12 =	vlt.f32 v5, v0;
	vm0 =	vmand vm10, vm11  }
0x21: {  	s8 =	ssub.s32 $0x2, s8;
	vm0 =	vmor vm12, vm0  }
0x22: {  	s9 =	sshrl.u32 s8, $0x1;
	v0 =	vsel vm0, v5, v0;
	v1 =	vsel vm0, v4, v1  }
0x23: {  	s9 =	ssub.s32 s8, s9;
	vm13 =	veq.f32 v7, v0;
	vm14 =	vlt.s32 v6, v1  }
0x24: {  	p0 =	sne.s32 s9, $0x1;
	vm15 =	vlt.f32 v7, v0;
	vm0 =	vmand vm13, vm14  }
.Ltmp1:
0x25: {  	vm0 =	vmor vm15, vm0;
	(pc) =	sbr.rel @!p0 .LBB2_3-.Ltmp1, $4  }
0x26: {  	v63 =	vsel vm0, v6, v1  }
0x27: {  	s7 =	sadd.s32 $0x800, s7;
	s8 =	simm.s32 $0x280;
	[tilespmem:$0x280] =	vst v63  }
0x28: {  	[hbm4b:s7+s5] =	stream.linear.scatter [tilespmem:s8], [sflag:$0x1], $0x80, $0x38;
	[tilespmem:$0x300] =	vst v63  }
0x29: {  	s9 =	sadd.s32 $0xFFFFFFFF, s9;
	_ =	swait.ge [sflag:s3], $0x80  }
.LBB2_2:
0x2a: {  	p0 =	sne.s32 s9, $0x1;
	s9 =	sadd.s32 $0xFFFFFFFF, s9;
	[sflag:s3] =	ssyncset.done $0x0  }
0x2b: {  	[sflag:s3] =	ssyncadd.s32 $0xFFFFFF80  }
0x2c: {  	[tilespmem:s5], [sflag:$0x1] =	stream.linear.gather [hbm4b:s4+s5], $0x80, $0x38;
	[tilespmem:$0x300] =	vst v63  }
0x2d: {  	_ =	swait.ge [sflag:s3], $0x80  }
0x2e: {  	[sflag:s3] =	ssyncset.done $0x0  }
0x2f: {  	[sflag:s3] =	ssyncadd.s32 $0xFFFFFF80  }
0x30: {  	[tilespmem:s6], [sflag:$0x1] =	stream.linear.gather [hbm4b:s2+s5], $0x200, $0x38;
	[tilespmem:$0x300] =	vst v63  }
0x31: {  	_ =	swait.ge [sflag:s3], $0x200  }
0x32: {  	[sflag:s3] =	ssyncset.done $0x0  }
0x33: {  	[sflag:s3] =	ssyncadd.s32 $0xFFFFFE00  }
0x34: {  	v0 =	vld [tilespmem:$0x0]  }
0x35: {  	v1 =	vld [tilespmem:$0x80];
	_ =	sdelay $0x1  }
0x36: {  	v2 =	vld [tilespmem:$0x100]  }
0x37: {  	v3 =	vld [tilespmem:$0x10]  }
0x38: {  	vm0 =	vlt.f32 v0, $+Inf;
	vm1 =	vgt.f32 v0, $+Inf;
	vm2 =	veq.f32 v0, $+Inf  }
0x39: {  	vm0 =	vmor vm1, vm0;
	vm1 =	vne.s32 v1, $0x7FFFFFFF  }
0x3a: {  	vm1 =	vmand vm2, vm1;
	v4 =	vld [tilespmem:$0x180]  }
0x3b: {  	vm0 =	vmor vm0, vm1;
	v5 =	vld [tilespmem:$0x20]  }
0x3c: {  	v0 =	vnsel vm0, $0x7F800000, v0;
	v1 =	vnsel vm0, $0x7FFFFFFF, v1  }
0x3d: {  	vm0 =	vlt.f32 v3, v0;
	vm1 =	veq.f32 v3, v0;
	vm2 =	vlt.s32 v2, v1  }
0x3e: {  	vm1 =	vmand vm1, vm2;
	v6 =	vld [tilespmem:$0x200]  }
0x3f: {  	vm0 =	vmor vm0, vm1;
	v7 =	vld [tilespmem:$0x30]  }
0x40: {  	v0 =	vsel vm0, v3, v0;
	v1 =	vsel vm0, v2, v1  }
0x41: {  	vm0 =	vlt.f32 v5, v0;
	vm1 =	veq.f32 v5, v0;
	vm2 =	vlt.s32 v4, v1  }
0x42: {  	vm1 =	vmand vm1, vm2  }
0x43: {  	vm0 =	vmor vm0, vm1  }
0x44: {  	v0 =	vsel vm0, v5, v0;
	v1 =	vsel vm0, v4, v1  }
0x45: {  	vm0 =	vlt.f32 v7, v0;
	vm1 =	veq.f32 v7, v0;
	vm2 =	vlt.s32 v6, v1  }
0x46: {  	vm1 =	vmand vm1, vm2  }
.Ltmp2:
0x47: {  	vm0 =	vmor vm0, vm1;
	(pc) =	sbr.rel @p0 .LBB2_2-.Ltmp2, $4  }
0x48: {  	v0 =	vsel vm0, v6, v1  }
0x49: {  	[tilespmem:$0x280] =	vst v0  }
0x4a: {  	[hbm4b:s7+s5] =	stream.linear.scatter [tilespmem:s8], [sflag:$0x1], $0x80, $0x38;
	[tilespmem:$0x300] =	vst v63  }
0x4b: {  	_ =	swait.ge [sflag:s3], $0x80  }
.LBB2_3:
0x4c: {  	[sflag:s3] =	ssyncset.done $0x0  }
0x4d: {  	[sflag:s3] =	ssyncadd.s32 $0xFFFFFF80  }
.LBB2_4:
0x4e: {  	_ =	sfence.sel $0x180000  }
0x4f: {  	[bflag:$0x0] =	sbarrier.arrive $0xFFFF  }
0x50: {  	p0 =	sne.s32 s0, $0x0;
	_ =	strace $0x90000047  }
0x51: {  	s0 =	sadd.s32 @!p0 $0x100000, s1;
	[bflag:$0x2] =	sbarrier.arrive $0xFFFF  }
0x52: {  	[sflag:s0] =	ssyncadd.tile.s32 @!p0 $0x1;
	_ =	shalt  }
.Lfunc_end2:
_tile_overlayer_lowered:
.L_overlay_start_2:
0x53: {  	(tag) =	ssettag $0x2  }
0x54: {  	s0 =	rddreg [dreg:$0x0];
	s2 =	stileid.u32  }
0x55: {  	s1 =	rddreg [dreg:$0x1];
	p0 =	sne.s32 s2, $0x0  }
0x56: {  	s3 =	rddreg [dreg:$0x2];
	[bflag:$0x3] =	sbarrier.arrive $0xFFFF;
	s2 =	simm.s32 @!p0 $0x1C01  }
0x57: {  	[timem:s3], [sflag:s2] =	dma.local @!p0 [hbm:s0], s1  }
0x58: {  	s0 =	simm.s32 @!p0 $0x1  }
0x59: {  	_ =	swait.ge @!p0 [sflag:s0], s1  }
0x5a: {  	s1 =	ssub.s32 @!p0 $0x0, s1;
	[sflag:s0] =	ssyncset.done @!p0 $0x0  }
0x5b: {  	[sflag:s0] =	ssyncadd.s32 @!p0 s1  }
0x5c: {  	[bflag:$0x3] =	sbarrier.arrive $0xFFFF  }
0x5d: {  	_ =	shalt  }

</sc_bundles>
